<compile_context>
chip_gen: v7x
topology: tpu7x:2x2x1
jax: 0.10.2.dev20260603
libtpu: 0.0.44.dev20260713+nightly
codegen_flags: <defaults>
</compile_context>

<pallas_src>
import dataclasses
import functools

import jax
import jax.numpy as jnp
from jax import lax
from jax.experimental import pallas as pl
from jax.experimental.pallas import tpu as pltpu
from jax.experimental.pallas import tpu_sc as plsc

_N = 128
_E = 128
_NUM_CORES = 2
_NUM_SUBCORES = 16
_NW = _NUM_CORES * _NUM_SUBCORES
_ROWS_PER_W = _N // _NW


def _rsqrt16(d):
    i = plsc.bitcast(d, jnp.int32)
    i = jnp.int32(0x5F3759DF) - (i >> 1)
    y = plsc.bitcast(i, jnp.float32)
    for _ in range(3):
        y = y * (jnp.float32(1.5) - jnp.float32(0.5) * d * y * y)
    return y


@functools.cache
def _sc_build_adj_fn():
    mesh = plsc.VectorSubcoreMesh(core_axis_name="c", subcore_axis_name="s",
                                  num_cores=_NUM_CORES,
                                  num_subcores=_NUM_SUBCORES)
    cp = pltpu.CompilerParams()
    if "needs_layout_passes" in pltpu.CompilerParams.__dataclass_fields__:
        cp = dataclasses.replace(cp, needs_layout_passes=False)
    return pl.kernel(
        _sc_build_adj,
        out_type=jax.ShapeDtypeStruct((_N, _N), jnp.float32),
        mesh=mesh,
        scratch_types=[
            pltpu.VMEM((4 * _E,), jnp.int32),
            pltpu.VMEM((_N,), jnp.float32),
            pltpu.VMEM((_ROWS_PER_W, _N), jnp.float32),
        ],
        compiler_params=cp,
    )


def _sc_build_adj(ei_hbm, out_hbm, ei_v, dis_v, a_v):
    wid = lax.axis_index("s") * _NUM_CORES + lax.axis_index("c")
    pltpu.sync_copy(ei_hbm, ei_v)

    zero = jnp.zeros((16,), jnp.float32)
    one = jnp.ones((16,), jnp.float32)
    for i in range(_ROWS_PER_W):
        for k in range(_N // 16):
            a_v[i, pl.ds(k * 16, 16)] = zero

    lane = lax.iota(jnp.int32, 16)

    def _edges(e):
        idx = (lane + e * 16) * 2
        r = plsc.load_gather(ei_v, [idx])
        c = plsc.load_gather(ei_v, [idx + 2 * _E])
        return r, c

    for g in range(_N // 16):
        dis_v[pl.ds(g * 16, 16)] = one
    for e in range(_E // 16):
        r, c = _edges(e)
        plsc.addupdate_scatter(dis_v, [c], one, mask=r != c)

    for g in range(_N // 16):
        sl = pl.ds(g * 16, 16)
        dis_v[sl] = _rsqrt16(dis_v[sl])

    c0 = wid * _ROWS_PER_W
    for e in range(_E // 16):
        r, c = _edges(e)
        own = (r != c) & (c >= c0) & (c < c0 + _ROWS_PER_W)
        norm = plsc.load_gather(dis_v, [r]) * plsc.load_gather(dis_v, [c])
        ridx = jnp.where(own, c - c0, 0)
        plsc.addupdate_scatter(a_v, [ridx, r], norm, mask=own)

    m = lane < _ROWS_PER_W
    nvec = jnp.where(m, c0 + lane, 0)
    dd = plsc.load_gather(dis_v, [nvec])
    plsc.addupdate_scatter(a_v, [jnp.where(m, lane, 0), nvec], dd * dd, mask=m)

    pltpu.sync_copy(a_v, out_hbm.at[pl.ds(wid * _ROWS_PER_W, _ROWS_PER_W), :])


def _tc_h_body(x_ref, w1_ref, h_ref):
    h_ref[...] = lax.dot_general(
        x_ref[...], w1_ref[...], (((1,), (1,)), ((), ())),
        preferred_element_type=jnp.float32)


_tc_h = pl.pallas_call(
    _tc_h_body, out_shape=jax.ShapeDtypeStruct((_N, _N), jnp.float32))


def _tc_head_body(a_ref, h_ref, b1_ref, w2_ref, b2_ref, o_ref):
    out = lax.dot_general(
        a_ref[...], h_ref[...], (((1,), (0,)), ((), ())),
        preferred_element_type=jnp.float32) + b1_ref[...]
    o_ref[...] = lax.dot_general(
        out, w2_ref[...], (((1,), (1,)), ((), ())),
        preferred_element_type=jnp.float32) + b2_ref[...]


_tc_head = pl.pallas_call(
    _tc_head_body, out_shape=jax.ShapeDtypeStruct((_N, 512), jnp.float32))


def kernel(x, edge_index, conv_lin_weight, conv_bias, lin_weight, lin_bias):
    ei = lax.bitcast_convert_type(edge_index, jnp.int32).reshape(4 * _E)
    a = _sc_build_adj_fn()(ei)
    h = _tc_h(x, conv_lin_weight)
    out = _tc_head(a, h, conv_bias.reshape(1, _N), lin_weight,
                   lin_bias.reshape(1, 512))
    return (out,)

# --- scband reference (transcript-rebuilt; emitter-appended) ---
"""Pipeline reference for scband-graph-module-59012850647680 (READ-ONLY COPY).

The authoritative reference and input builder live on the scoring server;
editing this copy changes nothing except your own understanding.
"""

import jax, jax.numpy as jnp
import numpy as np
jax.config.update("jax_enable_x64", True)

N = 128

def setup_inputs(seed: int = 0) -> dict:
    key = jax.random.key(seed)
    ks = jax.random.split(key, 6)
    return {
        "x": jax.random.normal(ks[0], (N, 512), dtype=jnp.float32),
        "edge_index": jax.random.randint(ks[1], (2, N), 0, N, dtype=jnp.int64),
        "conv_lin_weight": jax.random.normal(ks[2], (128, 512), dtype=jnp.float32) * 0.05,
        "conv_bias": jax.random.normal(ks[3], (128,), dtype=jnp.float32) * 0.05,
        "lin_weight": jax.random.normal(ks[4], (512, 128), dtype=jnp.float32) * 0.05,
        "lin_bias": jax.random.normal(ks[5], (512,), dtype=jnp.float32) * 0.05,
    }

def reference(x, edge_index, conv_lin_weight, conv_bias, lin_weight, lin_bias):
    # GCNConv with remove-self-loops + add-self-loops, symmetric normalization,
    # followed by a dense linear head. N=128 nodes, hidden=128 (hardcoded in trace).
    row0 = edge_index[0]
    col0 = edge_index[1]
    keep = (row0 != col0)
    # self loops appended for every node
    loop = jnp.arange(N, dtype=edge_index.dtype)
    row = jnp.concatenate([row0, loop])
    col = jnp.concatenate([col0, loop])
    # removed (self-loop) original edges get weight 0 -> identical math to filtering
    edge_weight = jnp.concatenate([keep.astype(jnp.float32), jnp.ones((N,), jnp.float32)])
    # degree via scatter-add over destination (col) indices
    deg = jnp.zeros((N,), jnp.float32).at[col].add(edge_weight)
    deg_inv_sqrt = jnp.power(deg, -0.5)
    deg_inv_sqrt = jnp.where(jnp.isinf(deg_inv_sqrt), 0.0, deg_inv_sqrt)
    norm = deg_inv_sqrt[row] * edge_weight * deg_inv_sqrt[col]
    # conv linear transform
    h = x @ conv_lin_weight.T
    # gather messages from source nodes (edge_index_j = row)
    x_j = jnp.take(h, row, axis=0)
    msg = norm[:, None] * x_j
    # scatter-add to destination nodes (edge_index_i = col)
    out = jnp.zeros((N, 128), jnp.float32).at[col].add(msg)
    out = out + conv_bias
    # dropout p=0.0 in eval mode is identity
    return (out @ lin_weight.T + lin_bias,)

if False:  # reference __main__ guard neutralized (emitter)
    inp = setup_inputs()
    res = reference(**inp)
    print(res[0].shape, res[0].dtype)

if __name__ == "__main__":
    import jax
    _d = setup_inputs()
    print(jax.jit(kernel)(*tuple(_d.values())))

</pallas_src>

<mosaic_0001>
#map = affine_map<(d0, d1) -> (0)>
#map1 = affine_map<(d0, d1) -> (0, 0)>
module attributes {stable_mosaic.version = 14 : i64} {
  func.func @_sc_build_adj(%arg0: i32, %arg1: i32, %arg2: memref<512xi32, #tpu.memory_space<hbm>>, %arg3: memref<128x128xf32, #tpu.memory_space<hbm>>, %arg4: memref<512xi32, #tpu.memory_space<vmem>>, %arg5: memref<128xf32, #tpu.memory_space<vmem>>, %arg6: memref<4x128xf32, #tpu.memory_space<vmem>>) attributes {dimension_semantics = [#tpu.dimension_semantics<core_parallel>, #tpu.dimension_semantics<subcore_parallel>], iteration_bounds = array<i64: 2, 16>, scalar_prefetch = 0 : i64, scratch_operands = 3 : i64, tpu.core_type = #tpu.core_type<sc_vector_subcore>, window_params = [{transform_indices = #map}, {transform_indices = #map1}]} {
    %mul3A = arith.constant 2 : i32
    %mul3A_0 = arith.muli %arg1, %mul3A : i32
    %add3A = arith.addi %mul3A_0, %arg0 : i32
    "tpu.region"() ({
      %run_scoped3A = tpu.sem_alloc : memref<!tpu.dma_semaphore, #tpu.memory_space<semaphore_mem>>
      tpu.enqueue_dma source(%arg2 : memref<512xi32, #tpu.memory_space<hbm>>) target(%arg4 : memref<512xi32, #tpu.memory_space<vmem>>) target_semaphore(%run_scoped3A : memref<!tpu.dma_semaphore, #tpu.memory_space<semaphore_mem>>)
      tpu.wait_dma2 semaphore(%run_scoped3A : memref<!tpu.dma_semaphore, #tpu.memory_space<semaphore_mem>>) src(%arg2 : memref<512xi32, #tpu.memory_space<hbm>>) dst(%arg4 : memref<512xi32, #tpu.memory_space<vmem>>)
      tpu.yield
    }) : () -> ()
    %broadcast_in_dim3A = arith.constant 0.000000e+00 : f32
    %broadcast_in_dim3A_1 = vector.broadcast %broadcast_in_dim3A : f32 to vector<16xf32>
    %broadcast_in_dim3A_2 = arith.constant 1.000000e+00 : f32
    %broadcast_in_dim3A_3 = vector.broadcast %broadcast_in_dim3A_2 : f32 to vector<16xf32>
    %swap3A = arith.constant 0 : i64
    %swap3A_4 = arith.index_cast %swap3A : i64 to index
    %swap3A_5 = arith.constant 0 : index
    %swap3A_6 = tpu.vector_load %arg6[%swap3A_4, %swap3A_5] {strides = array<i32>} : memref<4x128xf32, #tpu.memory_space<vmem>>, vector<16xf32>,
    tpu.vector_store %arg6[%swap3A_4, %swap3A_5], %broadcast_in_dim3A_1 {strides = array<i32>} : memref<4x128xf32, #tpu.memory_space<vmem>>, vector<16xf32>,
    %swap3A_7 = arith.constant 0 : i64
    %swap3A_8 = arith.index_cast %swap3A_7 : i64 to index
    %swap3A_9 = arith.constant 16 : index
    %swap3A_10 = tpu.vector_load %arg6[%swap3A_8, %swap3A_9] {strides = array<i32>} : memref<4x128xf32, #tpu.memory_space<vmem>>, vector<16xf32>,
    tpu.vector_store %arg6[%swap3A_8, %swap3A_9], %broadcast_in_dim3A_1 {strides = array<i32>} : memref<4x128xf32, #tpu.memory_space<vmem>>, vector<16xf32>,
    %swap3A_11 = arith.constant 0 : i64
    %swap3A_12 = arith.index_cast %swap3A_11 : i64 to index
    %swap3A_13 = arith.constant 32 : index
    %swap3A_14 = tpu.vector_load %arg6[%swap3A_12, %swap3A_13] {strides = array<i32>} : memref<4x128xf32, #tpu.memory_space<vmem>>, vector<16xf32>,
    tpu.vector_store %arg6[%swap3A_12, %swap3A_13], %broadcast_in_dim3A_1 {strides = array<i32>} : memref<4x128xf32, #tpu.memory_space<vmem>>, vector<16xf32>,
    %swap3A_15 = arith.constant 0 : i64
    %swap3A_16 = arith.index_cast %swap3A_15 : i64 to index
    %swap3A_17 = arith.constant 48 : index
    %swap3A_18 = tpu.vector_load %arg6[%swap3A_16, %swap3A_17] {strides = array<i32>} : memref<4x128xf32, #tpu.memory_space<vmem>>, vector<16xf32>,
    tpu.vector_store %arg6[%swap3A_16, %swap3A_17], %broadcast_in_dim3A_1 {strides = array<i32>} : memref<4x128xf32, #tpu.memory_space<vmem>>, vector<16xf32>,
    %swap3A_19 = arith.constant 0 : i64
    %swap3A_20 = arith.index_cast %swap3A_19 : i64 to index
    %swap3A_21 = arith.constant 64 : index
    %swap3A_22 = tpu.vector_load %arg6[%swap3A_20, %swap3A_21] {strides = array<i32>} : memref<4x128xf32, #tpu.memory_space<vmem>>, vector<16xf32>,
    tpu.vector_store %arg6[%swap3A_20, %swap3A_21], %broadcast_in_dim3A_1 {strides = array<i32>} : memref<4x128xf32, #tpu.memory_space<vmem>>, vector<16xf32>,
    %swap3A_23 = arith.constant 0 : i64
    %swap3A_24 = arith.index_cast %swap3A_23 : i64 to index
    %swap3A_25 = arith.constant 80 : index
    %swap3A_26 = tpu.vector_load %arg6[%swap3A_24, %swap3A_25] {strides = array<i32>} : memref<4x128xf32, #tpu.memory_space<vmem>>, vector<16xf32>,
    tpu.vector_store %arg6[%swap3A_24, %swap3A_25], %broadcast_in_dim3A_1 {strides = array<i32>} : memref<4x128xf32, #tpu.memory_space<vmem>>, vector<16xf32>,
    %swap3A_27 = arith.constant 0 : i64
    %swap3A_28 = arith.index_cast %swap3A_27 : i64 to index
    %swap3A_29 = arith.constant 96 : index
    %swap3A_30 = tpu.vector_load %arg6[%swap3A_28, %swap3A_29] {strides = array<i32>} : memref<4x128xf32, #tpu.memory_space<vmem>>, vector<16xf32>,
    tpu.vector_store %arg6[%swap3A_28, %swap3A_29], %broadcast_in_dim3A_1 {strides = array<i32>} : memref<4x128xf32, #tpu.memory_space<vmem>>, vector<16xf32>,
    %swap3A_31 = arith.constant 0 : i64
    %swap3A_32 = arith.index_cast %swap3A_31 : i64 to index
    %swap3A_33 = arith.constant 112 : index
    %swap3A_34 = tpu.vector_load %arg6[%swap3A_32, %swap3A_33] {strides = array<i32>} : memref<4x128xf32, #tpu.memory_space<vmem>>, vector<16xf32>,
    tpu.vector_store %arg6[%swap3A_32, %swap3A_33], %broadcast_in_dim3A_1 {strides = array<i32>} : memref<4x128xf32, #tpu.memory_space<vmem>>, vector<16xf32>,
    %swap3A_35 = arith.constant 1 : i64
    %swap3A_36 = arith.index_cast %swap3A_35 : i64 to index
    %swap3A_37 = arith.constant 0 : index
    %swap3A_38 = tpu.vector_load %arg6[%swap3A_36, %swap3A_37] {strides = array<i32>} : memref<4x128xf32, #tpu.memory_space<vmem>>, vector<16xf32>,
    tpu.vector_store %arg6[%swap3A_36, %swap3A_37], %broadcast_in_dim3A_1 {strides = array<i32>} : memref<4x128xf32, #tpu.memory_space<vmem>>, vector<16xf32>,
    %swap3A_39 = arith.constant 1 : i64
    %swap3A_40 = arith.index_cast %swap3A_39 : i64 to index
    %swap3A_41 = arith.constant 16 : index
    %swap3A_42 = tpu.vector_load %arg6[%swap3A_40, %swap3A_41] {strides = array<i32>} : memref<4x128xf32, #tpu.memory_space<vmem>>, vector<16xf32>,
    tpu.vector_store %arg6[%swap3A_40, %swap3A_41], %broadcast_in_dim3A_1 {strides = array<i32>} : memref<4x128xf32, #tpu.memory_space<vmem>>, vector<16xf32>,
    %swap3A_43 = arith.constant 1 : i64
    %swap3A_44 = arith.index_cast %swap3A_43 : i64 to index
    %swap3A_45 = arith.constant 32 : index
    %swap3A_46 = tpu.vector_load %arg6[%swap3A_44, %swap3A_45] {strides = array<i32>} : memref<4x128xf32, #tpu.memory_space<vmem>>, vector<16xf32>,
    tpu.vector_store %arg6[%swap3A_44, %swap3A_45], %broadcast_in_dim3A_1 {strides = array<i32>} : memref<4x128xf32, #tpu.memory_space<vmem>>, vector<16xf32>,
    %swap3A_47 = arith.constant 1 : i64
    %swap3A_48 = arith.index_cast %swap3A_47 : i64 to index
    %swap3A_49 = arith.constant 48 : index
    %swap3A_50 = tpu.vector_load %arg6[%swap3A_48, %swap3A_49] {strides = array<i32>} : memref<4x128xf32, #tpu.memory_space<vmem>>, vector<16xf32>,
    tpu.vector_store %arg6[%swap3A_48, %swap3A_49], %broadcast_in_dim3A_1 {strides = array<i32>} : memref<4x128xf32, #tpu.memory_space<vmem>>, vector<16xf32>,
    %swap3A_51 = arith.constant 1 : i64
    %swap3A_52 = arith.index_cast %swap3A_51 : i64 to index
    %swap3A_53 = arith.constant 64 : index
    %swap3A_54 = tpu.vector_load %arg6[%swap3A_52, %swap3A_53] {strides = array<i32>} : memref<4x128xf32, #tpu.memory_space<vmem>>, vector<16xf32>,
    tpu.vector_store %arg6[%swap3A_52, %swap3A_53], %broadcast_in_dim3A_1 {strides = array<i32>} : memref<4x128xf32, #tpu.memory_space<vmem>>, vector<16xf32>,
    %swap3A_55 = arith.constant 1 : i64
    %swap3A_56 = arith.index_cast %swap3A_55 : i64 to index
    %swap3A_57 = arith.constant 80 : index
    %swap3A_58 = tpu.vector_load %arg6[%swap3A_56, %swap3A_57] {strides = array<i32>} : memref<4x128xf32, #tpu.memory_space<vmem>>, vector<16xf32>,
    tpu.vector_store %arg6[%swap3A_56, %swap3A_57], %broadcast_in_dim3A_1 {strides = array<i32>} : memref<4x128xf32, #tpu.memory_space<vmem>>, vector<16xf32>,
    %swap3A_59 = arith.constant 1 : i64
    %swap3A_60 = arith.index_cast %swap3A_59 : i64 to index
    %swap3A_61 = arith.constant 96 : index
    %swap3A_62 = tpu.vector_load %arg6[%swap3A_60, %swap3A_61] {strides = array<i32>} : memref<4x128xf32, #tpu.memory_space<vmem>>, vector<16xf32>,
    tpu.vector_store %arg6[%swap3A_60, %swap3A_61], %broadcast_in_dim3A_1 {strides = array<i32>} : memref<4x128xf32, #tpu.memory_space<vmem>>, vector<16xf32>,
    %swap3A_63 = arith.constant 1 : i64
    %swap3A_64 = arith.index_cast %swap3A_63 : i64 to index
    %swap3A_65 = arith.constant 112 : index
    %swap3A_66 = tpu.vector_load %arg6[%swap3A_64, %swap3A_65] {strides = array<i32>} : memref<4x128xf32, #tpu.memory_space<vmem>>, vector<16xf32>,
    tpu.vector_store %arg6[%swap3A_64, %swap3A_65], %broadcast_in_dim3A_1 {strides = array<i32>} : memref<4x128xf32, #tpu.memory_space<vmem>>, vector<16xf32>,
    %swap3A_67 = arith.constant 2 : i64
    %swap3A_68 = arith.index_cast %swap3A_67 : i64 to index
    %swap3A_69 = arith.constant 0 : index
    %swap3A_70 = tpu.vector_load %arg6[%swap3A_68, %swap3A_69] {strides = array<i32>} : memref<4x128xf32, #tpu.memory_space<vmem>>, vector<16xf32>,
    tpu.vector_store %arg6[%swap3A_68, %swap3A_69], %broadcast_in_dim3A_1 {strides = array<i32>} : memref<4x128xf32, #tpu.memory_space<vmem>>, vector<16xf32>,
    %swap3A_71 = arith.constant 2 : i64
    %swap3A_72 = arith.index_cast %swap3A_71 : i64 to index
    %swap3A_73 = arith.constant 16 : index
    %swap3A_74 = tpu.vector_load %arg6[%swap3A_72, %swap3A_73] {strides = array<i32>} : memref<4x128xf32, #tpu.memory_space<vmem>>, vector<16xf32>,
    tpu.vector_store %arg6[%swap3A_72, %swap3A_73], %broadcast_in_dim3A_1 {strides = array<i32>} : memref<4x128xf32, #tpu.memory_space<vmem>>, vector<16xf32>,
    %swap3A_75 = arith.constant 2 : i64
    %swap3A_76 = arith.index_cast %swap3A_75 : i64 to index
    %swap3A_77 = arith.constant 32 : index
    %swap3A_78 = tpu.vector_load %arg6[%swap3A_76, %swap3A_77] {strides = array<i32>} : memref<4x128xf32, #tpu.memory_space<vmem>>, vector<16xf32>,
    tpu.vector_store %arg6[%swap3A_76, %swap3A_77], %broadcast_in_dim3A_1 {strides = array<i32>} : memref<4x128xf32, #tpu.memory_space<vmem>>, vector<16xf32>,
    %swap3A_79 = arith.constant 2 : i64
    %swap3A_80 = arith.index_cast %swap3A_79 : i64 to index
    %swap3A_81 = arith.constant 48 : index
    %swap3A_82 = tpu.vector_load %arg6[%swap3A_80, %swap3A_81] {strides = array<i32>} : memref<4x128xf32, #tpu.memory_space<vmem>>, vector<16xf32>,
    tpu.vector_store %arg6[%swap3A_80, %swap3A_81], %broadcast_in_dim3A_1 {strides = array<i32>} : memref<4x128xf32, #tpu.memory_space<vmem>>, vector<16xf32>,
    %swap3A_83 = arith.constant 2 : i64
    %swap3A_84 = arith.index_cast %swap3A_83 : i64 to index
    %swap3A_85 = arith.constant 64 : index
    %swap3A_86 = tpu.vector_load %arg6[%swap3A_84, %swap3A_85] {strides = array<i32>} : memref<4x128xf32, #tpu.memory_space<vmem>>, vector<16xf32>,
    tpu.vector_store %arg6[%swap3A_84, %swap3A_85], %broadcast_in_dim3A_1 {strides = array<i32>} : memref<4x128xf32, #tpu.memory_space<vmem>>, vector<16xf32>,
    %swap3A_87 = arith.constant 2 : i64
    %swap3A_88 = arith.index_cast %swap3A_87 : i64 to index
    %swap3A_89 = arith.constant 80 : index
    %swap3A_90 = tpu.vector_load %arg6[%swap3A_88, %swap3A_89] {strides = array<i32>} : memref<4x128xf32, #tpu.memory_space<vmem>>, vector<16xf32>,
    tpu.vector_store %arg6[%swap3A_88, %swap3A_89], %broadcast_in_dim3A_1 {strides = array<i32>} : memref<4x128xf32, #tpu.memory_space<vmem>>, vector<16xf32>,
    %swap3A_91 = arith.constant 2 : i64
    %swap3A_92 = arith.index_cast %swap3A_91 : i64 to index
    %swap3A_93 = arith.constant 96 : index
    %swap3A_94 = tpu.vector_load %arg6[%swap3A_92, %swap3A_93] {strides = array<i32>} : memref<4x128xf32, #tpu.memory_space<vmem>>, vector<16xf32>,
    tpu.vector_store %arg6[%swap3A_92, %swap3A_93], %broadcast_in_dim3A_1 {strides = array<i32>} : memref<4x128xf32, #tpu.memory_space<vmem>>, vector<16xf32>,
    %swap3A_95 = arith.constant 2 : i64
    %swap3A_96 = arith.index_cast %swap3A_95 : i64 to index
    %swap3A_97 = arith.constant 112 : index
    %swap3A_98 = tpu.vector_load %arg6[%swap3A_96, %swap3A_97] {strides = array<i32>} : memref<4x128xf32, #tpu.memory_space<vmem>>, vector<16xf32>,
    tpu.vector_store %arg6[%swap3A_96, %swap3A_97], %broadcast_in_dim3A_1 {strides = array<i32>} : memref<4x128xf32, #tpu.memory_space<vmem>>, vector<16xf32>,
    %swap3A_99 = arith.constant 3 : i64
    %swap3A_100 = arith.index_cast %swap3A_99 : i64 to index
    %swap3A_101 = arith.constant 0 : index
    %swap3A_102 = tpu.vector_load %arg6[%swap3A_100, %swap3A_101] {strides = array<i32>} : memref<4x128xf32, #tpu.memory_space<vmem>>, vector<16xf32>,
    tpu.vector_store %arg6[%swap3A_100, %swap3A_101], %broadcast_in_dim3A_1 {strides = array<i32>} : memref<4x128xf32, #tpu.memory_space<vmem>>, vector<16xf32>,
    %swap3A_103 = arith.constant 3 : i64
    %swap3A_104 = arith.index_cast %swap3A_103 : i64 to index
    %swap3A_105 = arith.constant 16 : index
    %swap3A_106 = tpu.vector_load %arg6[%swap3A_104, %swap3A_105] {strides = array<i32>} : memref<4x128xf32, #tpu.memory_space<vmem>>, vector<16xf32>,
    tpu.vector_store %arg6[%swap3A_104, %swap3A_105], %broadcast_in_dim3A_1 {strides = array<i32>} : memref<4x128xf32, #tpu.memory_space<vmem>>, vector<16xf32>,
    %swap3A_107 = arith.constant 3 : i64
    %swap3A_108 = arith.index_cast %swap3A_107 : i64 to index
    %swap3A_109 = arith.constant 32 : index
    %swap3A_110 = tpu.vector_load %arg6[%swap3A_108, %swap3A_109] {strides = array<i32>} : memref<4x128xf32, #tpu.memory_space<vmem>>, vector<16xf32>,
    tpu.vector_store %arg6[%swap3A_108, %swap3A_109], %broadcast_in_dim3A_1 {strides = array<i32>} : memref<4x128xf32, #tpu.memory_space<vmem>>, vector<16xf32>,
    %swap3A_111 = arith.constant 3 : i64
    %swap3A_112 = arith.index_cast %swap3A_111 : i64 to index
    %swap3A_113 = arith.constant 48 : index
    %swap3A_114 = tpu.vector_load %arg6[%swap3A_112, %swap3A_113] {strides = array<i32>} : memref<4x128xf32, #tpu.memory_space<vmem>>, vector<16xf32>,
    tpu.vector_store %arg6[%swap3A_112, %swap3A_113], %broadcast_in_dim3A_1 {strides = array<i32>} : memref<4x128xf32, #tpu.memory_space<vmem>>, vector<16xf32>,
    %swap3A_115 = arith.constant 3 : i64
    %swap3A_116 = arith.index_cast %swap3A_115 : i64 to index
    %swap3A_117 = arith.constant 64 : index
    %swap3A_118 = tpu.vector_load %arg6[%swap3A_116, %swap3A_117] {strides = array<i32>} : memref<4x128xf32, #tpu.memory_space<vmem>>, vector<16xf32>,
    tpu.vector_store %arg6[%swap3A_116, %swap3A_117], %broadcast_in_dim3A_1 {strides = array<i32>} : memref<4x128xf32, #tpu.memory_space<vmem>>, vector<16xf32>,
    %swap3A_119 = arith.constant 3 : i64
    %swap3A_120 = arith.index_cast %swap3A_119 : i64 to index
    %swap3A_121 = arith.constant 80 : index
    %swap3A_122 = tpu.vector_load %arg6[%swap3A_120, %swap3A_121] {strides = array<i32>} : memref<4x128xf32, #tpu.memory_space<vmem>>, vector<16xf32>,
    tpu.vector_store %arg6[%swap3A_120, %swap3A_121], %broadcast_in_dim3A_1 {strides = array<i32>} : memref<4x128xf32, #tpu.memory_space<vmem>>, vector<16xf32>,
    %swap3A_123 = arith.constant 3 : i64
    %swap3A_124 = arith.index_cast %swap3A_123 : i64 to index
    %swap3A_125 = arith.constant 96 : index
    %swap3A_126 = tpu.vector_load %arg6[%swap3A_124, %swap3A_125] {strides = array<i32>} : memref<4x128xf32, #tpu.memory_space<vmem>>, vector<16xf32>,
    tpu.vector_store %arg6[%swap3A_124, %swap3A_125], %broadcast_in_dim3A_1 {strides = array<i32>} : memref<4x128xf32, #tpu.memory_space<vmem>>, vector<16xf32>,
    %swap3A_127 = arith.constant 3 : i64
    %swap3A_128 = arith.index_cast %swap3A_127 : i64 to index
    %swap3A_129 = arith.constant 112 : index
    %swap3A_130 = tpu.vector_load %arg6[%swap3A_128, %swap3A_129] {strides = array<i32>} : memref<4x128xf32, #tpu.memory_space<vmem>>, vector<16xf32>,
    tpu.vector_store %arg6[%swap3A_128, %swap3A_129], %broadcast_in_dim3A_1 {strides = array<i32>} : memref<4x128xf32, #tpu.memory_space<vmem>>, vector<16xf32>,
    %iota3A = tpu.iota {dimensions = array<i32: 0>} : vector<16xi32>
    %swap3A_131 = arith.constant 0 : index
    %swap3A_132 = tpu.vector_load %arg5[%swap3A_131] {strides = array<i32>} : memref<128xf32, #tpu.memory_space<vmem>>, vector<16xf32>,
    tpu.vector_store %arg5[%swap3A_131], %broadcast_in_dim3A_3 {strides = array<i32>} : memref<128xf32, #tpu.memory_space<vmem>>, vector<16xf32>,
    %swap3A_133 = arith.constant 16 : index
    %swap3A_134 = tpu.vector_load %arg5[%swap3A_133] {strides = array<i32>} : memref<128xf32, #tpu.memory_space<vmem>>, vector<16xf32>,
    tpu.vector_store %arg5[%swap3A_133], %broadcast_in_dim3A_3 {strides = array<i32>} : memref<128xf32, #tpu.memory_space<vmem>>, vector<16xf32>,
    %swap3A_135 = arith.constant 32 : index
    %swap3A_136 = tpu.vector_load %arg5[%swap3A_135] {strides = array<i32>} : memref<128xf32, #tpu.memory_space<vmem>>, vector<16xf32>,
    tpu.vector_store %arg5[%swap3A_135], %broadcast_in_dim3A_3 {strides = array<i32>} : memref<128xf32, #tpu.memory_space<vmem>>, vector<16xf32>,
    %swap3A_137 = arith.constant 48 : index
    %swap3A_138 = tpu.vector_load %arg5[%swap3A_137] {strides = array<i32>} : memref<128xf32, #tpu.memory_space<vmem>>, vector<16xf32>,
    tpu.vector_store %arg5[%swap3A_137], %broadcast_in_dim3A_3 {strides = array<i32>} : memref<128xf32, #tpu.memory_space<vmem>>, vector<16xf32>,
    %swap3A_139 = arith.constant 64 : index
    %swap3A_140 = tpu.vector_load %arg5[%swap3A_139] {strides = array<i32>} : memref<128xf32, #tpu.memory_space<vmem>>, vector<16xf32>,
    tpu.vector_store %arg5[%swap3A_139], %broadcast_in_dim3A_3 {strides = array<i32>} : memref<128xf32, #tpu.memory_space<vmem>>, vector<16xf32>,
    %swap3A_141 = arith.constant 80 : index
    %swap3A_142 = tpu.vector_load %arg5[%swap3A_141] {strides = array<i32>} : memref<128xf32, #tpu.memory_space<vmem>>, vector<16xf32>,
    tpu.vector_store %arg5[%swap3A_141], %broadcast_in_dim3A_3 {strides = array<i32>} : memref<128xf32, #tpu.memory_space<vmem>>, vector<16xf32>,
    %swap3A_143 = arith.constant 96 : index
    %swap3A_144 = tpu.vector_load %arg5[%swap3A_143] {strides = array<i32>} : memref<128xf32, #tpu.memory_space<vmem>>, vector<16xf32>,
    tpu.vector_store %arg5[%swap3A_143], %broadcast_in_dim3A_3 {strides = array<i32>} : memref<128xf32, #tpu.memory_space<vmem>>, vector<16xf32>,
    %swap3A_145 = arith.constant 112 : index
    %swap3A_146 = tpu.vector_load %arg5[%swap3A_145] {strides = array<i32>} : memref<128xf32, #tpu.memory_space<vmem>>, vector<16xf32>,
    tpu.vector_store %arg5[%swap3A_145], %broadcast_in_dim3A_3 {strides = array<i32>} : memref<128xf32, #tpu.memory_space<vmem>>, vector<16xf32>,
    %add3A_147 = arith.constant 0 : i32
    %add3A_148 = vector.broadcast %add3A_147 : i32 to vector<16xi32>
    %add3A_149 = arith.addi %iota3A, %add3A_148 : vector<16xi32>
    %mul3A_150 = arith.constant 2 : i32
    %mul3A_151 = vector.broadcast %mul3A_150 : i32 to vector<16xi32>
    %mul3A_152 = arith.muli %add3A_149, %mul3A_151 : vector<16xi32>
    %gather3A = tpu.vector_load_idx %arg4[%mul3A_152] : memref<512xi32, #tpu.memory_space<vmem>>[vector<16xi32>], vector<16xi32>,
    %add3A_153 = arith.constant 256 : i32
    %add3A_154 = vector.broadcast %add3A_153 : i32 to vector<16xi32>
    %add3A_155 = arith.addi %mul3A_152, %add3A_154 : vector<16xi32>
    %gather3A_156 = tpu.vector_load_idx %arg4[%add3A_155] : memref<512xi32, #tpu.memory_space<vmem>>[vector<16xi32>], vector<16xi32>,
    %ne3A = arith.cmpi ne, %gather3A, %gather3A_156 : vector<16xi32>
    tpu.vector_store_idx %arg5[%gather3A_156], %broadcast_in_dim3A_3 masked %ne3A {add = true} : memref<128xf32, #tpu.memory_space<vmem>>[vector<16xi32>], vector<16xf32>, vector<16xi1>
    %add3A_157 = arith.constant 16 : i32
    %add3A_158 = vector.broadcast %add3A_157 : i32 to vector<16xi32>
    %add3A_159 = arith.addi %iota3A, %add3A_158 : vector<16xi32>
    %mul3A_160 = arith.constant 2 : i32
    %mul3A_161 = vector.broadcast %mul3A_160 : i32 to vector<16xi32>
    %mul3A_162 = arith.muli %add3A_159, %mul3A_161 : vector<16xi32>
    %gather3A_163 = tpu.vector_load_idx %arg4[%mul3A_162] : memref<512xi32, #tpu.memory_space<vmem>>[vector<16xi32>], vector<16xi32>,
    %add3A_164 = arith.constant 256 : i32
    %add3A_165 = vector.broadcast %add3A_164 : i32 to vector<16xi32>
    %add3A_166 = arith.addi %mul3A_162, %add3A_165 : vector<16xi32>
    %gather3A_167 = tpu.vector_load_idx %arg4[%add3A_166] : memref<512xi32, #tpu.memory_space<vmem>>[vector<16xi32>], vector<16xi32>,
    %ne3A_168 = arith.cmpi ne, %gather3A_163, %gather3A_167 : vector<16xi32>
    tpu.vector_store_idx %arg5[%gather3A_167], %broadcast_in_dim3A_3 masked %ne3A_168 {add = true} : memref<128xf32, #tpu.memory_space<vmem>>[vector<16xi32>], vector<16xf32>, vector<16xi1>
    %add3A_169 = arith.constant 32 : i32
    %add3A_170 = vector.broadcast %add3A_169 : i32 to vector<16xi32>
    %add3A_171 = arith.addi %iota3A, %add3A_170 : vector<16xi32>
    %mul3A_172 = arith.constant 2 : i32
    %mul3A_173 = vector.broadcast %mul3A_172 : i32 to vector<16xi32>
    %mul3A_174 = arith.muli %add3A_171, %mul3A_173 : vector<16xi32>
    %gather3A_175 = tpu.vector_load_idx %arg4[%mul3A_174] : memref<512xi32, #tpu.memory_space<vmem>>[vector<16xi32>], vector<16xi32>,
    %add3A_176 = arith.constant 256 : i32
    %add3A_177 = vector.broadcast %add3A_176 : i32 to vector<16xi32>
    %add3A_178 = arith.addi %mul3A_174, %add3A_177 : vector<16xi32>
    %gather3A_179 = tpu.vector_load_idx %arg4[%add3A_178] : memref<512xi32, #tpu.memory_space<vmem>>[vector<16xi32>], vector<16xi32>,
    %ne3A_180 = arith.cmpi ne, %gather3A_175, %gather3A_179 : vector<16xi32>
    tpu.vector_store_idx %arg5[%gather3A_179], %broadcast_in_dim3A_3 masked %ne3A_180 {add = true} : memref<128xf32, #tpu.memory_space<vmem>>[vector<16xi32>], vector<16xf32>, vector<16xi1>
    %add3A_181 = arith.constant 48 : i32
    %add3A_182 = vector.broadcast %add3A_181 : i32 to vector<16xi32>
    %add3A_183 = arith.addi %iota3A, %add3A_182 : vector<16xi32>
    %mul3A_184 = arith.constant 2 : i32
    %mul3A_185 = vector.broadcast %mul3A_184 : i32 to vector<16xi32>
    %mul3A_186 = arith.muli %add3A_183, %mul3A_185 : vector<16xi32>
    %gather3A_187 = tpu.vector_load_idx %arg4[%mul3A_186] : memref<512xi32, #tpu.memory_space<vmem>>[vector<16xi32>], vector<16xi32>,
    %add3A_188 = arith.constant 256 : i32
    %add3A_189 = vector.broadcast %add3A_188 : i32 to vector<16xi32>
    %add3A_190 = arith.addi %mul3A_186, %add3A_189 : vector<16xi32>
    %gather3A_191 = tpu.vector_load_idx %arg4[%add3A_190] : memref<512xi32, #tpu.memory_space<vmem>>[vector<16xi32>], vector<16xi32>,
    %ne3A_192 = arith.cmpi ne, %gather3A_187, %gather3A_191 : vector<16xi32>
    tpu.vector_store_idx %arg5[%gather3A_191], %broadcast_in_dim3A_3 masked %ne3A_192 {add = true} : memref<128xf32, #tpu.memory_space<vmem>>[vector<16xi32>], vector<16xf32>, vector<16xi1>
    %add3A_193 = arith.constant 64 : i32
    %add3A_194 = vector.broadcast %add3A_193 : i32 to vector<16xi32>
    %add3A_195 = arith.addi %iota3A, %add3A_194 : vector<16xi32>
    %mul3A_196 = arith.constant 2 : i32
    %mul3A_197 = vector.broadcast %mul3A_196 : i32 to vector<16xi32>
    %mul3A_198 = arith.muli %add3A_195, %mul3A_197 : vector<16xi32>
    %gather3A_199 = tpu.vector_load_idx %arg4[%mul3A_198] : memref<512xi32, #tpu.memory_space<vmem>>[vector<16xi32>], vector<16xi32>,
    %add3A_200 = arith.constant 256 : i32
    %add3A_201 = vector.broadcast %add3A_200 : i32 to vector<16xi32>
    %add3A_202 = arith.addi %mul3A_198, %add3A_201 : vector<16xi32>
    %gather3A_203 = tpu.vector_load_idx %arg4[%add3A_202] : memref<512xi32, #tpu.memory_space<vmem>>[vector<16xi32>], vector<16xi32>,
    %ne3A_204 = arith.cmpi ne, %gather3A_199, %gather3A_203 : vector<16xi32>
    tpu.vector_store_idx %arg5[%gather3A_203], %broadcast_in_dim3A_3 masked %ne3A_204 {add = true} : memref<128xf32, #tpu.memory_space<vmem>>[vector<16xi32>], vector<16xf32>, vector<16xi1>
    %add3A_205 = arith.constant 80 : i32
    %add3A_206 = vector.broadcast %add3A_205 : i32 to vector<16xi32>
    %add3A_207 = arith.addi %iota3A, %add3A_206 : vector<16xi32>
    %mul3A_208 = arith.constant 2 : i32
    %mul3A_209 = vector.broadcast %mul3A_208 : i32 to vector<16xi32>
    %mul3A_210 = arith.muli %add3A_207, %mul3A_209 : vector<16xi32>
    %gather3A_211 = tpu.vector_load_idx %arg4[%mul3A_210] : memref<512xi32, #tpu.memory_space<vmem>>[vector<16xi32>], vector<16xi32>,
    %add3A_212 = arith.constant 256 : i32
    %add3A_213 = vector.broadcast %add3A_212 : i32 to vector<16xi32>
    %add3A_214 = arith.addi %mul3A_210, %add3A_213 : vector<16xi32>
    %gather3A_215 = tpu.vector_load_idx %arg4[%add3A_214] : memref<512xi32, #tpu.memory_space<vmem>>[vector<16xi32>], vector<16xi32>,
    %ne3A_216 = arith.cmpi ne, %gather3A_211, %gather3A_215 : vector<16xi32>
    tpu.vector_store_idx %arg5[%gather3A_215], %broadcast_in_dim3A_3 masked %ne3A_216 {add = true} : memref<128xf32, #tpu.memory_space<vmem>>[vector<16xi32>], vector<16xf32>, vector<16xi1>
    %add3A_217 = arith.constant 96 : i32
    %add3A_218 = vector.broadcast %add3A_217 : i32 to vector<16xi32>
    %add3A_219 = arith.addi %iota3A, %add3A_218 : vector<16xi32>
    %mul3A_220 = arith.constant 2 : i32
    %mul3A_221 = vector.broadcast %mul3A_220 : i32 to vector<16xi32>
    %mul3A_222 = arith.muli %add3A_219, %mul3A_221 : vector<16xi32>
    %gather3A_223 = tpu.vector_load_idx %arg4[%mul3A_222] : memref<512xi32, #tpu.memory_space<vmem>>[vector<16xi32>], vector<16xi32>,
    %add3A_224 = arith.constant 256 : i32
    %add3A_225 = vector.broadcast %add3A_224 : i32 to vector<16xi32>
    %add3A_226 = arith.addi %mul3A_222, %add3A_225 : vector<16xi32>
    %gather3A_227 = tpu.vector_load_idx %arg4[%add3A_226] : memref<512xi32, #tpu.memory_space<vmem>>[vector<16xi32>], vector<16xi32>,
    %ne3A_228 = arith.cmpi ne, %gather3A_223, %gather3A_227 : vector<16xi32>
    tpu.vector_store_idx %arg5[%gather3A_227], %broadcast_in_dim3A_3 masked %ne3A_228 {add = true} : memref<128xf32, #tpu.memory_space<vmem>>[vector<16xi32>], vector<16xf32>, vector<16xi1>
    %add3A_229 = arith.constant 112 : i32
    %add3A_230 = vector.broadcast %add3A_229 : i32 to vector<16xi32>
    %add3A_231 = arith.addi %iota3A, %add3A_230 : vector<16xi32>
    %mul3A_232 = arith.constant 2 : i32
    %mul3A_233 = vector.broadcast %mul3A_232 : i32 to vector<16xi32>
    %mul3A_234 = arith.muli %add3A_231, %mul3A_233 : vector<16xi32>
    %gather3A_235 = tpu.vector_load_idx %arg4[%mul3A_234] : memref<512xi32, #tpu.memory_space<vmem>>[vector<16xi32>], vector<16xi32>,
    %add3A_236 = arith.constant 256 : i32
    %add3A_237 = vector.broadcast %add3A_236 : i32 to vector<16xi32>
    %add3A_238 = arith.addi %mul3A_234, %add3A_237 : vector<16xi32>
    %gather3A_239 = tpu.vector_load_idx %arg4[%add3A_238] : memref<512xi32, #tpu.memory_space<vmem>>[vector<16xi32>], vector<16xi32>,
    %ne3A_240 = arith.cmpi ne, %gather3A_235, %gather3A_239 : vector<16xi32>
    tpu.vector_store_idx %arg5[%gather3A_239], %broadcast_in_dim3A_3 masked %ne3A_240 {add = true} : memref<128xf32, #tpu.memory_space<vmem>>[vector<16xi32>], vector<16xf32>, vector<16xi1>
    %get3A = arith.constant 0 : index
    %get3A_241 = tpu.vector_load %arg5[%get3A] {strides = array<i32>} : memref<128xf32, #tpu.memory_space<vmem>>, vector<16xf32>,
    %bitcast3A = vector.bitcast %get3A_241 : vector<16xf32> to vector<16xi32>
    %shift_right_arithmetic3A = arith.constant 1 : i32
    %shift_right_arithmetic3A_242 = vector.broadcast %shift_right_arithmetic3A : i32 to vector<16xi32>
    %shift_right_arithmetic3A_243 = arith.shrsi %bitcast3A, %shift_right_arithmetic3A_242 : vector<16xi32>
    %sub3A = arith.constant 1597463007 : i32
    %sub3A_244 = vector.broadcast %sub3A : i32 to vector<16xi32>
    %sub3A_245 = arith.subi %sub3A_244, %shift_right_arithmetic3A_243 : vector<16xi32>
    %bitcast3A_246 = vector.bitcast %sub3A_245 : vector<16xi32> to vector<16xf32>
    %mul3A_247 = arith.constant 5.000000e-01 : f32
    %mul3A_248 = vector.broadcast %mul3A_247 : f32 to vector<16xf32>
    %mul3A_249 = arith.mulf %mul3A_248, %get3A_241 : vector<16xf32>
    %mul3A_250 = arith.mulf %mul3A_249, %bitcast3A_246 : vector<16xf32>
    %mul3A_251 = arith.mulf %mul3A_250, %bitcast3A_246 : vector<16xf32>
    %sub3A_252 = arith.constant 1.500000e+00 : f32
    %sub3A_253 = vector.broadcast %sub3A_252 : f32 to vector<16xf32>
    %sub3A_254 = arith.subf %sub3A_253, %mul3A_251 : vector<16xf32>
    %mul3A_255 = arith.mulf %bitcast3A_246, %sub3A_254 : vector<16xf32>
    %mul3A_256 = arith.constant 5.000000e-01 : f32
    %mul3A_257 = vector.broadcast %mul3A_256 : f32 to vector<16xf32>
    %mul3A_258 = arith.mulf %mul3A_257, %get3A_241 : vector<16xf32>
    %mul3A_259 = arith.mulf %mul3A_258, %mul3A_255 : vector<16xf32>
    %mul3A_260 = arith.mulf %mul3A_259, %mul3A_255 : vector<16xf32>
    %sub3A_261 = arith.constant 1.500000e+00 : f32
    %sub3A_262 = vector.broadcast %sub3A_261 : f32 to vector<16xf32>
    %sub3A_263 = arith.subf %sub3A_262, %mul3A_260 : vector<16xf32>
    %mul3A_264 = arith.mulf %mul3A_255, %sub3A_263 : vector<16xf32>
    %mul3A_265 = arith.constant 5.000000e-01 : f32
    %mul3A_266 = vector.broadcast %mul3A_265 : f32 to vector<16xf32>
    %mul3A_267 = arith.mulf %mul3A_266, %get3A_241 : vector<16xf32>
    %mul3A_268 = arith.mulf %mul3A_267, %mul3A_264 : vector<16xf32>
    %mul3A_269 = arith.mulf %mul3A_268, %mul3A_264 : vector<16xf32>
    %sub3A_270 = arith.constant 1.500000e+00 : f32
    %sub3A_271 = vector.broadcast %sub3A_270 : f32 to vector<16xf32>
    %sub3A_272 = arith.subf %sub3A_271, %mul3A_269 : vector<16xf32>
    %mul3A_273 = arith.mulf %mul3A_264, %sub3A_272 : vector<16xf32>
    %swap3A_274 = arith.constant 0 : index
    %swap3A_275 = tpu.vector_load %arg5[%swap3A_274] {strides = array<i32>} : memref<128xf32, #tpu.memory_space<vmem>>, vector<16xf32>,
    tpu.vector_store %arg5[%swap3A_274], %mul3A_273 {strides = array<i32>} : memref<128xf32, #tpu.memory_space<vmem>>, vector<16xf32>,
    %get3A_276 = arith.constant 16 : index
    %get3A_277 = tpu.vector_load %arg5[%get3A_276] {strides = array<i32>} : memref<128xf32, #tpu.memory_space<vmem>>, vector<16xf32>,
    %bitcast3A_278 = vector.bitcast %get3A_277 : vector<16xf32> to vector<16xi32>
    %shift_right_arithmetic3A_279 = arith.constant 1 : i32
    %shift_right_arithmetic3A_280 = vector.broadcast %shift_right_arithmetic3A_279 : i32 to vector<16xi32>
    %shift_right_arithmetic3A_281 = arith.shrsi %bitcast3A_278, %shift_right_arithmetic3A_280 : vector<16xi32>
    %sub3A_282 = arith.constant 1597463007 : i32
    %sub3A_283 = vector.broadcast %sub3A_282 : i32 to vector<16xi32>
    %sub3A_284 = arith.subi %sub3A_283, %shift_right_arithmetic3A_281 : vector<16xi32>
    %bitcast3A_285 = vector.bitcast %sub3A_284 : vector<16xi32> to vector<16xf32>
    %mul3A_286 = arith.constant 5.000000e-01 : f32
    %mul3A_287 = vector.broadcast %mul3A_286 : f32 to vector<16xf32>
    %mul3A_288 = arith.mulf %mul3A_287, %get3A_277 : vector<16xf32>
    %mul3A_289 = arith.mulf %mul3A_288, %bitcast3A_285 : vector<16xf32>
    %mul3A_290 = arith.mulf %mul3A_289, %bitcast3A_285 : vector<16xf32>
    %sub3A_291 = arith.constant 1.500000e+00 : f32
    %sub3A_292 = vector.broadcast %sub3A_291 : f32 to vector<16xf32>
    %sub3A_293 = arith.subf %sub3A_292, %mul3A_290 : vector<16xf32>
    %mul3A_294 = arith.mulf %bitcast3A_285, %sub3A_293 : vector<16xf32>
    %mul3A_295 = arith.constant 5.000000e-01 : f32
    %mul3A_296 = vector.broadcast %mul3A_295 : f32 to vector<16xf32>
    %mul3A_297 = arith.mulf %mul3A_296, %get3A_277 : vector<16xf32>
    %mul3A_298 = arith.mulf %mul3A_297, %mul3A_294 : vector<16xf32>
    %mul3A_299 = arith.mulf %mul3A_298, %mul3A_294 : vector<16xf32>
    %sub3A_300 = arith.constant 1.500000e+00 : f32
    %sub3A_301 = vector.broadcast %sub3A_300 : f32 to vector<16xf32>
    %sub3A_302 = arith.subf %sub3A_301, %mul3A_299 : vector<16xf32>
    %mul3A_303 = arith.mulf %mul3A_294, %sub3A_302 : vector<16xf32>
    %mul3A_304 = arith.constant 5.000000e-01 : f32
    %mul3A_305 = vector.broadcast %mul3A_304 : f32 to vector<16xf32>
    %mul3A_306 = arith.mulf %mul3A_305, %get3A_277 : vector<16xf32>
    %mul3A_307 = arith.mulf %mul3A_306, %mul3A_303 : vector<16xf32>
    %mul3A_308 = arith.mulf %mul3A_307, %mul3A_303 : vector<16xf32>
    %sub3A_309 = arith.constant 1.500000e+00 : f32
    %sub3A_310 = vector.broadcast %sub3A_309 : f32 to vector<16xf32>
    %sub3A_311 = arith.subf %sub3A_310, %mul3A_308 : vector<16xf32>
    %mul3A_312 = arith.mulf %mul3A_303, %sub3A_311 : vector<16xf32>
    %swap3A_313 = arith.constant 16 : index
    %swap3A_314 = tpu.vector_load %arg5[%swap3A_313] {strides = array<i32>} : memref<128xf32, #tpu.memory_space<vmem>>, vector<16xf32>,
    tpu.vector_store %arg5[%swap3A_313], %mul3A_312 {strides = array<i32>} : memref<128xf32, #tpu.memory_space<vmem>>, vector<16xf32>,
    %get3A_315 = arith.constant 32 : index
    %get3A_316 = tpu.vector_load %arg5[%get3A_315] {strides = array<i32>} : memref<128xf32, #tpu.memory_space<vmem>>, vector<16xf32>,
    %bitcast3A_317 = vector.bitcast %get3A_316 : vector<16xf32> to vector<16xi32>
    %shift_right_arithmetic3A_318 = arith.constant 1 : i32
    %shift_right_arithmetic3A_319 = vector.broadcast %shift_right_arithmetic3A_318 : i32 to vector<16xi32>
    %shift_right_arithmetic3A_320 = arith.shrsi %bitcast3A_317, %shift_right_arithmetic3A_319 : vector<16xi32>
    %sub3A_321 = arith.constant 1597463007 : i32
    %sub3A_322 = vector.broadcast %sub3A_321 : i32 to vector<16xi32>
    %sub3A_323 = arith.subi %sub3A_322, %shift_right_arithmetic3A_320 : vector<16xi32>
    %bitcast3A_324 = vector.bitcast %sub3A_323 : vector<16xi32> to vector<16xf32>
    %mul3A_325 = arith.constant 5.000000e-01 : f32
    %mul3A_326 = vector.broadcast %mul3A_325 : f32 to vector<16xf32>
    %mul3A_327 = arith.mulf %mul3A_326, %get3A_316 : vector<16xf32>
    %mul3A_328 = arith.mulf %mul3A_327, %bitcast3A_324 : vector<16xf32>
    %mul3A_329 = arith.mulf %mul3A_328, %bitcast3A_324 : vector<16xf32>
    %sub3A_330 = arith.constant 1.500000e+00 : f32
    %sub3A_331 = vector.broadcast %sub3A_330 : f32 to vector<16xf32>
    %sub3A_332 = arith.subf %sub3A_331, %mul3A_329 : vector<16xf32>
    %mul3A_333 = arith.mulf %bitcast3A_324, %sub3A_332 : vector<16xf32>
    %mul3A_334 = arith.constant 5.000000e-01 : f32
    %mul3A_335 = vector.broadcast %mul3A_334 : f32 to vector<16xf32>
    %mul3A_336 = arith.mulf %mul3A_335, %get3A_316 : vector<16xf32>
    %mul3A_337 = arith.mulf %mul3A_336, %mul3A_333 : vector<16xf32>
    %mul3A_338 = arith.mulf %mul3A_337, %mul3A_333 : vector<16xf32>
    %sub3A_339 = arith.constant 1.500000e+00 : f32
    %sub3A_340 = vector.broadcast %sub3A_339 : f32 to vector<16xf32>
    %sub3A_341 = arith.subf %sub3A_340, %mul3A_338 : vector<16xf32>
    %mul3A_342 = arith.mulf %mul3A_333, %sub3A_341 : vector<16xf32>
    %mul3A_343 = arith.constant 5.000000e-01 : f32
    %mul3A_344 = vector.broadcast %mul3A_343 : f32 to vector<16xf32>
    %mul3A_345 = arith.mulf %mul3A_344, %get3A_316 : vector<16xf32>
    %mul3A_346 = arith.mulf %mul3A_345, %mul3A_342 : vector<16xf32>
    %mul3A_347 = arith.mulf %mul3A_346, %mul3A_342 : vector<16xf32>
    %sub3A_348 = arith.constant 1.500000e+00 : f32
    %sub3A_349 = vector.broadcast %sub3A_348 : f32 to vector<16xf32>
    %sub3A_350 = arith.subf %sub3A_349, %mul3A_347 : vector<16xf32>
    %mul3A_351 = arith.mulf %mul3A_342, %sub3A_350 : vector<16xf32>
    %swap3A_352 = arith.constant 32 : index
    %swap3A_353 = tpu.vector_load %arg5[%swap3A_352] {strides = array<i32>} : memref<128xf32, #tpu.memory_space<vmem>>, vector<16xf32>,
    tpu.vector_store %arg5[%swap3A_352], %mul3A_351 {strides = array<i32>} : memref<128xf32, #tpu.memory_space<vmem>>, vector<16xf32>,
    %get3A_354 = arith.constant 48 : index
    %get3A_355 = tpu.vector_load %arg5[%get3A_354] {strides = array<i32>} : memref<128xf32, #tpu.memory_space<vmem>>, vector<16xf32>,
    %bitcast3A_356 = vector.bitcast %get3A_355 : vector<16xf32> to vector<16xi32>
    %shift_right_arithmetic3A_357 = arith.constant 1 : i32
    %shift_right_arithmetic3A_358 = vector.broadcast %shift_right_arithmetic3A_357 : i32 to vector<16xi32>
    %shift_right_arithmetic3A_359 = arith.shrsi %bitcast3A_356, %shift_right_arithmetic3A_358 : vector<16xi32>
    %sub3A_360 = arith.constant 1597463007 : i32
    %sub3A_361 = vector.broadcast %sub3A_360 : i32 to vector<16xi32>
    %sub3A_362 = arith.subi %sub3A_361, %shift_right_arithmetic3A_359 : vector<16xi32>
    %bitcast3A_363 = vector.bitcast %sub3A_362 : vector<16xi32> to vector<16xf32>
    %mul3A_364 = arith.constant 5.000000e-01 : f32
    %mul3A_365 = vector.broadcast %mul3A_364 : f32 to vector<16xf32>
    %mul3A_366 = arith.mulf %mul3A_365, %get3A_355 : vector<16xf32>
    %mul3A_367 = arith.mulf %mul3A_366, %bitcast3A_363 : vector<16xf32>
    %mul3A_368 = arith.mulf %mul3A_367, %bitcast3A_363 : vector<16xf32>
    %sub3A_369 = arith.constant 1.500000e+00 : f32
    %sub3A_370 = vector.broadcast %sub3A_369 : f32 to vector<16xf32>
    %sub3A_371 = arith.subf %sub3A_370, %mul3A_368 : vector<16xf32>
    %mul3A_372 = arith.mulf %bitcast3A_363, %sub3A_371 : vector<16xf32>
    %mul3A_373 = arith.constant 5.000000e-01 : f32
    %mul3A_374 = vector.broadcast %mul3A_373 : f32 to vector<16xf32>
    %mul3A_375 = arith.mulf %mul3A_374, %get3A_355 : vector<16xf32>
    %mul3A_376 = arith.mulf %mul3A_375, %mul3A_372 : vector<16xf32>
    %mul3A_377 = arith.mulf %mul3A_376, %mul3A_372 : vector<16xf32>
    %sub3A_378 = arith.constant 1.500000e+00 : f32
    %sub3A_379 = vector.broadcast %sub3A_378 : f32 to vector<16xf32>
    %sub3A_380 = arith.subf %sub3A_379, %mul3A_377 : vector<16xf32>
    %mul3A_381 = arith.mulf %mul3A_372, %sub3A_380 : vector<16xf32>
    %mul3A_382 = arith.constant 5.000000e-01 : f32
    %mul3A_383 = vector.broadcast %mul3A_382 : f32 to vector<16xf32>
    %mul3A_384 = arith.mulf %mul3A_383, %get3A_355 : vector<16xf32>
    %mul3A_385 = arith.mulf %mul3A_384, %mul3A_381 : vector<16xf32>
    %mul3A_386 = arith.mulf %mul3A_385, %mul3A_381 : vector<16xf32>
    %sub3A_387 = arith.constant 1.500000e+00 : f32
    %sub3A_388 = vector.broadcast %sub3A_387 : f32 to vector<16xf32>
    %sub3A_389 = arith.subf %sub3A_388, %mul3A_386 : vector<16xf32>
    %mul3A_390 = arith.mulf %mul3A_381, %sub3A_389 : vector<16xf32>
    %swap3A_391 = arith.constant 48 : index
    %swap3A_392 = tpu.vector_load %arg5[%swap3A_391] {strides = array<i32>} : memref<128xf32, #tpu.memory_space<vmem>>, vector<16xf32>,
    tpu.vector_store %arg5[%swap3A_391], %mul3A_390 {strides = array<i32>} : memref<128xf32, #tpu.memory_space<vmem>>, vector<16xf32>,
    %get3A_393 = arith.constant 64 : index
    %get3A_394 = tpu.vector_load %arg5[%get3A_393] {strides = array<i32>} : memref<128xf32, #tpu.memory_space<vmem>>, vector<16xf32>,
    %bitcast3A_395 = vector.bitcast %get3A_394 : vector<16xf32> to vector<16xi32>
    %shift_right_arithmetic3A_396 = arith.constant 1 : i32
    %shift_right_arithmetic3A_397 = vector.broadcast %shift_right_arithmetic3A_396 : i32 to vector<16xi32>
    %shift_right_arithmetic3A_398 = arith.shrsi %bitcast3A_395, %shift_right_arithmetic3A_397 : vector<16xi32>
    %sub3A_399 = arith.constant 1597463007 : i32
    %sub3A_400 = vector.broadcast %sub3A_399 : i32 to vector<16xi32>
    %sub3A_401 = arith.subi %sub3A_400, %shift_right_arithmetic3A_398 : vector<16xi32>
    %bitcast3A_402 = vector.bitcast %sub3A_401 : vector<16xi32> to vector<16xf32>
    %mul3A_403 = arith.constant 5.000000e-01 : f32
    %mul3A_404 = vector.broadcast %mul3A_403 : f32 to vector<16xf32>
    %mul3A_405 = arith.mulf %mul3A_404, %get3A_394 : vector<16xf32>
    %mul3A_406 = arith.mulf %mul3A_405, %bitcast3A_402 : vector<16xf32>
    %mul3A_407 = arith.mulf %mul3A_406, %bitcast3A_402 : vector<16xf32>
    %sub3A_408 = arith.constant 1.500000e+00 : f32
    %sub3A_409 = vector.broadcast %sub3A_408 : f32 to vector<16xf32>
    %sub3A_410 = arith.subf %sub3A_409, %mul3A_407 : vector<16xf32>
    %mul3A_411 = arith.mulf %bitcast3A_402, %sub3A_410 : vector<16xf32>
    %mul3A_412 = arith.constant 5.000000e-01 : f32
    %mul3A_413 = vector.broadcast %mul3A_412 : f32 to vector<16xf32>
    %mul3A_414 = arith.mulf %mul3A_413, %get3A_394 : vector<16xf32>
    %mul3A_415 = arith.mulf %mul3A_414, %mul3A_411 : vector<16xf32>
    %mul3A_416 = arith.mulf %mul3A_415, %mul3A_411 : vector<16xf32>
    %sub3A_417 = arith.constant 1.500000e+00 : f32
    %sub3A_418 = vector.broadcast %sub3A_417 : f32 to vector<16xf32>
    %sub3A_419 = arith.subf %sub3A_418, %mul3A_416 : vector<16xf32>
    %mul3A_420 = arith.mulf %mul3A_411, %sub3A_419 : vector<16xf32>
    %mul3A_421 = arith.constant 5.000000e-01 : f32
    %mul3A_422 = vector.broadcast %mul3A_421 : f32 to vector<16xf32>
    %mul3A_423 = arith.mulf %mul3A_422, %get3A_394 : vector<16xf32>
    %mul3A_424 = arith.mulf %mul3A_423, %mul3A_420 : vector<16xf32>
    %mul3A_425 = arith.mulf %mul3A_424, %mul3A_420 : vector<16xf32>
    %sub3A_426 = arith.constant 1.500000e+00 : f32
    %sub3A_427 = vector.broadcast %sub3A_426 : f32 to vector<16xf32>
    %sub3A_428 = arith.subf %sub3A_427, %mul3A_425 : vector<16xf32>
    %mul3A_429 = arith.mulf %mul3A_420, %sub3A_428 : vector<16xf32>
    %swap3A_430 = arith.constant 64 : index
    %swap3A_431 = tpu.vector_load %arg5[%swap3A_430] {strides = array<i32>} : memref<128xf32, #tpu.memory_space<vmem>>, vector<16xf32>,
    tpu.vector_store %arg5[%swap3A_430], %mul3A_429 {strides = array<i32>} : memref<128xf32, #tpu.memory_space<vmem>>, vector<16xf32>,
    %get3A_432 = arith.constant 80 : index
    %get3A_433 = tpu.vector_load %arg5[%get3A_432] {strides = array<i32>} : memref<128xf32, #tpu.memory_space<vmem>>, vector<16xf32>,
    %bitcast3A_434 = vector.bitcast %get3A_433 : vector<16xf32> to vector<16xi32>
    %shift_right_arithmetic3A_435 = arith.constant 1 : i32
    %shift_right_arithmetic3A_436 = vector.broadcast %shift_right_arithmetic3A_435 : i32 to vector<16xi32>
    %shift_right_arithmetic3A_437 = arith.shrsi %bitcast3A_434, %shift_right_arithmetic3A_436 : vector<16xi32>
    %sub3A_438 = arith.constant 1597463007 : i32
    %sub3A_439 = vector.broadcast %sub3A_438 : i32 to vector<16xi32>
    %sub3A_440 = arith.subi %sub3A_439, %shift_right_arithmetic3A_437 : vector<16xi32>
    %bitcast3A_441 = vector.bitcast %sub3A_440 : vector<16xi32> to vector<16xf32>
    %mul3A_442 = arith.constant 5.000000e-01 : f32
    %mul3A_443 = vector.broadcast %mul3A_442 : f32 to vector<16xf32>
    %mul3A_444 = arith.mulf %mul3A_443, %get3A_433 : vector<16xf32>
    %mul3A_445 = arith.mulf %mul3A_444, %bitcast3A_441 : vector<16xf32>
    %mul3A_446 = arith.mulf %mul3A_445, %bitcast3A_441 : vector<16xf32>
    %sub3A_447 = arith.constant 1.500000e+00 : f32
    %sub3A_448 = vector.broadcast %sub3A_447 : f32 to vector<16xf32>
    %sub3A_449 = arith.subf %sub3A_448, %mul3A_446 : vector<16xf32>
    %mul3A_450 = arith.mulf %bitcast3A_441, %sub3A_449 : vector<16xf32>
    %mul3A_451 = arith.constant 5.000000e-01 : f32
    %mul3A_452 = vector.broadcast %mul3A_451 : f32 to vector<16xf32>
    %mul3A_453 = arith.mulf %mul3A_452, %get3A_433 : vector<16xf32>
    %mul3A_454 = arith.mulf %mul3A_453, %mul3A_450 : vector<16xf32>
    %mul3A_455 = arith.mulf %mul3A_454, %mul3A_450 : vector<16xf32>
    %sub3A_456 = arith.constant 1.500000e+00 : f32
    %sub3A_457 = vector.broadcast %sub3A_456 : f32 to vector<16xf32>
    %sub3A_458 = arith.subf %sub3A_457, %mul3A_455 : vector<16xf32>
    %mul3A_459 = arith.mulf %mul3A_450, %sub3A_458 : vector<16xf32>
    %mul3A_460 = arith.constant 5.000000e-01 : f32
    %mul3A_461 = vector.broadcast %mul3A_460 : f32 to vector<16xf32>
    %mul3A_462 = arith.mulf %mul3A_461, %get3A_433 : vector<16xf32>
    %mul3A_463 = arith.mulf %mul3A_462, %mul3A_459 : vector<16xf32>
    %mul3A_464 = arith.mulf %mul3A_463, %mul3A_459 : vector<16xf32>
    %sub3A_465 = arith.constant 1.500000e+00 : f32
    %sub3A_466 = vector.broadcast %sub3A_465 : f32 to vector<16xf32>
    %sub3A_467 = arith.subf %sub3A_466, %mul3A_464 : vector<16xf32>
    %mul3A_468 = arith.mulf %mul3A_459, %sub3A_467 : vector<16xf32>
    %swap3A_469 = arith.constant 80 : index
    %swap3A_470 = tpu.vector_load %arg5[%swap3A_469] {strides = array<i32>} : memref<128xf32, #tpu.memory_space<vmem>>, vector<16xf32>,
    tpu.vector_store %arg5[%swap3A_469], %mul3A_468 {strides = array<i32>} : memref<128xf32, #tpu.memory_space<vmem>>, vector<16xf32>,
    %get3A_471 = arith.constant 96 : index
    %get3A_472 = tpu.vector_load %arg5[%get3A_471] {strides = array<i32>} : memref<128xf32, #tpu.memory_space<vmem>>, vector<16xf32>,
    %bitcast3A_473 = vector.bitcast %get3A_472 : vector<16xf32> to vector<16xi32>
    %shift_right_arithmetic3A_474 = arith.constant 1 : i32
    %shift_right_arithmetic3A_475 = vector.broadcast %shift_right_arithmetic3A_474 : i32 to vector<16xi32>
    %shift_right_arithmetic3A_476 = arith.shrsi %bitcast3A_473, %shift_right_arithmetic3A_475 : vector<16xi32>
    %sub3A_477 = arith.constant 1597463007 : i32
    %sub3A_478 = vector.broadcast %sub3A_477 : i32 to vector<16xi32>
    %sub3A_479 = arith.subi %sub3A_478, %shift_right_arithmetic3A_476 : vector<16xi32>
    %bitcast3A_480 = vector.bitcast %sub3A_479 : vector<16xi32> to vector<16xf32>
    %mul3A_481 = arith.constant 5.000000e-01 : f32
    %mul3A_482 = vector.broadcast %mul3A_481 : f32 to vector<16xf32>
    %mul3A_483 = arith.mulf %mul3A_482, %get3A_472 : vector<16xf32>
    %mul3A_484 = arith.mulf %mul3A_483, %bitcast3A_480 : vector<16xf32>
    %mul3A_485 = arith.mulf %mul3A_484, %bitcast3A_480 : vector<16xf32>
    %sub3A_486 = arith.constant 1.500000e+00 : f32
    %sub3A_487 = vector.broadcast %sub3A_486 : f32 to vector<16xf32>
    %sub3A_488 = arith.subf %sub3A_487, %mul3A_485 : vector<16xf32>
    %mul3A_489 = arith.mulf %bitcast3A_480, %sub3A_488 : vector<16xf32>
    %mul3A_490 = arith.constant 5.000000e-01 : f32
    %mul3A_491 = vector.broadcast %mul3A_490 : f32 to vector<16xf32>
    %mul3A_492 = arith.mulf %mul3A_491, %get3A_472 : vector<16xf32>
    %mul3A_493 = arith.mulf %mul3A_492, %mul3A_489 : vector<16xf32>
    %mul3A_494 = arith.mulf %mul3A_493, %mul3A_489 : vector<16xf32>
    %sub3A_495 = arith.constant 1.500000e+00 : f32
    %sub3A_496 = vector.broadcast %sub3A_495 : f32 to vector<16xf32>
    %sub3A_497 = arith.subf %sub3A_496, %mul3A_494 : vector<16xf32>
    %mul3A_498 = arith.mulf %mul3A_489, %sub3A_497 : vector<16xf32>
    %mul3A_499 = arith.constant 5.000000e-01 : f32
    %mul3A_500 = vector.broadcast %mul3A_499 : f32 to vector<16xf32>
    %mul3A_501 = arith.mulf %mul3A_500, %get3A_472 : vector<16xf32>
    %mul3A_502 = arith.mulf %mul3A_501, %mul3A_498 : vector<16xf32>
    %mul3A_503 = arith.mulf %mul3A_502, %mul3A_498 : vector<16xf32>
    %sub3A_504 = arith.constant 1.500000e+00 : f32
    %sub3A_505 = vector.broadcast %sub3A_504 : f32 to vector<16xf32>
    %sub3A_506 = arith.subf %sub3A_505, %mul3A_503 : vector<16xf32>
    %mul3A_507 = arith.mulf %mul3A_498, %sub3A_506 : vector<16xf32>
    %swap3A_508 = arith.constant 96 : index
    %swap3A_509 = tpu.vector_load %arg5[%swap3A_508] {strides = array<i32>} : memref<128xf32, #tpu.memory_space<vmem>>, vector<16xf32>,
    tpu.vector_store %arg5[%swap3A_508], %mul3A_507 {strides = array<i32>} : memref<128xf32, #tpu.memory_space<vmem>>, vector<16xf32>,
    %get3A_510 = arith.constant 112 : index
    %get3A_511 = tpu.vector_load %arg5[%get3A_510] {strides = array<i32>} : memref<128xf32, #tpu.memory_space<vmem>>, vector<16xf32>,
    %bitcast3A_512 = vector.bitcast %get3A_511 : vector<16xf32> to vector<16xi32>
    %shift_right_arithmetic3A_513 = arith.constant 1 : i32
    %shift_right_arithmetic3A_514 = vector.broadcast %shift_right_arithmetic3A_513 : i32 to vector<16xi32>
    %shift_right_arithmetic3A_515 = arith.shrsi %bitcast3A_512, %shift_right_arithmetic3A_514 : vector<16xi32>
    %sub3A_516 = arith.constant 1597463007 : i32
    %sub3A_517 = vector.broadcast %sub3A_516 : i32 to vector<16xi32>
    %sub3A_518 = arith.subi %sub3A_517, %shift_right_arithmetic3A_515 : vector<16xi32>
    %bitcast3A_519 = vector.bitcast %sub3A_518 : vector<16xi32> to vector<16xf32>
    %mul3A_520 = arith.constant 5.000000e-01 : f32
    %mul3A_521 = vector.broadcast %mul3A_520 : f32 to vector<16xf32>
    %mul3A_522 = arith.mulf %mul3A_521, %get3A_511 : vector<16xf32>
    %mul3A_523 = arith.mulf %mul3A_522, %bitcast3A_519 : vector<16xf32>
    %mul3A_524 = arith.mulf %mul3A_523, %bitcast3A_519 : vector<16xf32>
    %sub3A_525 = arith.constant 1.500000e+00 : f32
    %sub3A_526 = vector.broadcast %sub3A_525 : f32 to vector<16xf32>
    %sub3A_527 = arith.subf %sub3A_526, %mul3A_524 : vector<16xf32>
    %mul3A_528 = arith.mulf %bitcast3A_519, %sub3A_527 : vector<16xf32>
    %mul3A_529 = arith.constant 5.000000e-01 : f32
    %mul3A_530 = vector.broadcast %mul3A_529 : f32 to vector<16xf32>
    %mul3A_531 = arith.mulf %mul3A_530, %get3A_511 : vector<16xf32>
    %mul3A_532 = arith.mulf %mul3A_531, %mul3A_528 : vector<16xf32>
    %mul3A_533 = arith.mulf %mul3A_532, %mul3A_528 : vector<16xf32>
    %sub3A_534 = arith.constant 1.500000e+00 : f32
    %sub3A_535 = vector.broadcast %sub3A_534 : f32 to vector<16xf32>
    %sub3A_536 = arith.subf %sub3A_535, %mul3A_533 : vector<16xf32>
    %mul3A_537 = arith.mulf %mul3A_528, %sub3A_536 : vector<16xf32>
    %mul3A_538 = arith.constant 5.000000e-01 : f32
    %mul3A_539 = vector.broadcast %mul3A_538 : f32 to vector<16xf32>
    %mul3A_540 = arith.mulf %mul3A_539, %get3A_511 : vector<16xf32>
    %mul3A_541 = arith.mulf %mul3A_540, %mul3A_537 : vector<16xf32>
    %mul3A_542 = arith.mulf %mul3A_541, %mul3A_537 : vector<16xf32>
    %sub3A_543 = arith.constant 1.500000e+00 : f32
    %sub3A_544 = vector.broadcast %sub3A_543 : f32 to vector<16xf32>
    %sub3A_545 = arith.subf %sub3A_544, %mul3A_542 : vector<16xf32>
    %mul3A_546 = arith.mulf %mul3A_537, %sub3A_545 : vector<16xf32>
    %swap3A_547 = arith.constant 112 : index
    %swap3A_548 = tpu.vector_load %arg5[%swap3A_547] {strides = array<i32>} : memref<128xf32, #tpu.memory_space<vmem>>, vector<16xf32>,
    tpu.vector_store %arg5[%swap3A_547], %mul3A_546 {strides = array<i32>} : memref<128xf32, #tpu.memory_space<vmem>>, vector<16xf32>,
    %mul3A_549 = arith.constant 4 : i32
    %mul3A_550 = arith.muli %add3A, %mul3A_549 : i32
    %add3A_551 = arith.constant 0 : i32
    %add3A_552 = vector.broadcast %add3A_551 : i32 to vector<16xi32>
    %add3A_553 = arith.addi %iota3A, %add3A_552 : vector<16xi32>
    %mul3A_554 = arith.constant 2 : i32
    %mul3A_555 = vector.broadcast %mul3A_554 : i32 to vector<16xi32>
    %mul3A_556 = arith.muli %add3A_553, %mul3A_555 : vector<16xi32>
    %gather3A_557 = tpu.vector_load_idx %arg4[%mul3A_556] : memref<512xi32, #tpu.memory_space<vmem>>[vector<16xi32>], vector<16xi32>,
    %add3A_558 = arith.constant 256 : i32
    %add3A_559 = vector.broadcast %add3A_558 : i32 to vector<16xi32>
    %add3A_560 = arith.addi %mul3A_556, %add3A_559 : vector<16xi32>
    %gather3A_561 = tpu.vector_load_idx %arg4[%add3A_560] : memref<512xi32, #tpu.memory_space<vmem>>[vector<16xi32>], vector<16xi32>,
    %ne3A_562 = arith.cmpi ne, %gather3A_557, %gather3A_561 : vector<16xi32>
    %ge3A = vector.broadcast %mul3A_550 : i32 to vector<16xi32>
    %ge3A_563 = arith.cmpi sge, %gather3A_561, %ge3A : vector<16xi32>
    %and3A = arith.andi %ne3A_562, %ge3A_563 : vector<16xi1>
    %add3A_564 = arith.constant 4 : i32
    %add3A_565 = arith.addi %mul3A_550, %add3A_564 : i32
    %lt3A = vector.broadcast %add3A_565 : i32 to vector<16xi32>
    %lt3A_566 = arith.cmpi slt, %gather3A_561, %lt3A : vector<16xi32>
    %and3A_567 = arith.andi %and3A, %lt3A_566 : vector<16xi1>
    %gather3A_568 = tpu.vector_load_idx %arg5[%gather3A_557] : memref<128xf32, #tpu.memory_space<vmem>>[vector<16xi32>], vector<16xf32>,
    %gather3A_569 = tpu.vector_load_idx %arg5[%gather3A_561] : memref<128xf32, #tpu.memory_space<vmem>>[vector<16xi32>], vector<16xf32>,
    %mul3A_570 = arith.mulf %gather3A_568, %gather3A_569 : vector<16xf32>
    %sub3A_571 = vector.broadcast %mul3A_550 : i32 to vector<16xi32>
    %sub3A_572 = arith.subi %gather3A_561, %sub3A_571 : vector<16xi32>
    %jit3A = arith.constant 0 : i64
    %convert_element_type3A = arith.trunci %jit3A : i64 to i32
    %broadcast_in_dim3A_573 = vector.broadcast %convert_element_type3A : i32 to vector<16xi32>
    %select_n3A = arith.select %and3A_567, %sub3A_572, %broadcast_in_dim3A_573 : vector<16xi1>, vector<16xi32>
    tpu.vector_store_idx %arg6[%select_n3A, %gather3A_557], %mul3A_570 masked %and3A_567 {add = true} : memref<4x128xf32, #tpu.memory_space<vmem>>[vector<16xi32>, vector<16xi32>], vector<16xf32>, vector<16xi1>
    %add3A_574 = arith.constant 16 : i32
    %add3A_575 = vector.broadcast %add3A_574 : i32 to vector<16xi32>
    %add3A_576 = arith.addi %iota3A, %add3A_575 : vector<16xi32>
    %mul3A_577 = arith.constant 2 : i32
    %mul3A_578 = vector.broadcast %mul3A_577 : i32 to vector<16xi32>
    %mul3A_579 = arith.muli %add3A_576, %mul3A_578 : vector<16xi32>
    %gather3A_580 = tpu.vector_load_idx %arg4[%mul3A_579] : memref<512xi32, #tpu.memory_space<vmem>>[vector<16xi32>], vector<16xi32>,
    %add3A_581 = arith.constant 256 : i32
    %add3A_582 = vector.broadcast %add3A_581 : i32 to vector<16xi32>
    %add3A_583 = arith.addi %mul3A_579, %add3A_582 : vector<16xi32>
    %gather3A_584 = tpu.vector_load_idx %arg4[%add3A_583] : memref<512xi32, #tpu.memory_space<vmem>>[vector<16xi32>], vector<16xi32>,
    %ne3A_585 = arith.cmpi ne, %gather3A_580, %gather3A_584 : vector<16xi32>
    %ge3A_586 = vector.broadcast %mul3A_550 : i32 to vector<16xi32>
    %ge3A_587 = arith.cmpi sge, %gather3A_584, %ge3A_586 : vector<16xi32>
    %and3A_588 = arith.andi %ne3A_585, %ge3A_587 : vector<16xi1>
    %add3A_589 = arith.constant 4 : i32
    %add3A_590 = arith.addi %mul3A_550, %add3A_589 : i32
    %lt3A_591 = vector.broadcast %add3A_590 : i32 to vector<16xi32>
    %lt3A_592 = arith.cmpi slt, %gather3A_584, %lt3A_591 : vector<16xi32>
    %and3A_593 = arith.andi %and3A_588, %lt3A_592 : vector<16xi1>
    %gather3A_594 = tpu.vector_load_idx %arg5[%gather3A_580] : memref<128xf32, #tpu.memory_space<vmem>>[vector<16xi32>], vector<16xf32>,
    %gather3A_595 = tpu.vector_load_idx %arg5[%gather3A_584] : memref<128xf32, #tpu.memory_space<vmem>>[vector<16xi32>], vector<16xf32>,
    %mul3A_596 = arith.mulf %gather3A_594, %gather3A_595 : vector<16xf32>
    %sub3A_597 = vector.broadcast %mul3A_550 : i32 to vector<16xi32>
    %sub3A_598 = arith.subi %gather3A_584, %sub3A_597 : vector<16xi32>
    %jit3A_599 = arith.constant 0 : i64
    %convert_element_type3A_600 = arith.trunci %jit3A_599 : i64 to i32
    %broadcast_in_dim3A_601 = vector.broadcast %convert_element_type3A_600 : i32 to vector<16xi32>
    %select_n3A_602 = arith.select %and3A_593, %sub3A_598, %broadcast_in_dim3A_601 : vector<16xi1>, vector<16xi32>
    tpu.vector_store_idx %arg6[%select_n3A_602, %gather3A_580], %mul3A_596 masked %and3A_593 {add = true} : memref<4x128xf32, #tpu.memory_space<vmem>>[vector<16xi32>, vector<16xi32>], vector<16xf32>, vector<16xi1>
    %add3A_603 = arith.constant 32 : i32
    %add3A_604 = vector.broadcast %add3A_603 : i32 to vector<16xi32>
    %add3A_605 = arith.addi %iota3A, %add3A_604 : vector<16xi32>
    %mul3A_606 = arith.constant 2 : i32
    %mul3A_607 = vector.broadcast %mul3A_606 : i32 to vector<16xi32>
    %mul3A_608 = arith.muli %add3A_605, %mul3A_607 : vector<16xi32>
    %gather3A_609 = tpu.vector_load_idx %arg4[%mul3A_608] : memref<512xi32, #tpu.memory_space<vmem>>[vector<16xi32>], vector<16xi32>,
    %add3A_610 = arith.constant 256 : i32
    %add3A_611 = vector.broadcast %add3A_610 : i32 to vector<16xi32>
    %add3A_612 = arith.addi %mul3A_608, %add3A_611 : vector<16xi32>
    %gather3A_613 = tpu.vector_load_idx %arg4[%add3A_612] : memref<512xi32, #tpu.memory_space<vmem>>[vector<16xi32>], vector<16xi32>,
    %ne3A_614 = arith.cmpi ne, %gather3A_609, %gather3A_613 : vector<16xi32>
    %ge3A_615 = vector.broadcast %mul3A_550 : i32 to vector<16xi32>
    %ge3A_616 = arith.cmpi sge, %gather3A_613, %ge3A_615 : vector<16xi32>
    %and3A_617 = arith.andi %ne3A_614, %ge3A_616 : vector<16xi1>
    %add3A_618 = arith.constant 4 : i32
    %add3A_619 = arith.addi %mul3A_550, %add3A_618 : i32
    %lt3A_620 = vector.broadcast %add3A_619 : i32 to vector<16xi32>
    %lt3A_621 = arith.cmpi slt, %gather3A_613, %lt3A_620 : vector<16xi32>
    %and3A_622 = arith.andi %and3A_617, %lt3A_621 : vector<16xi1>
    %gather3A_623 = tpu.vector_load_idx %arg5[%gather3A_609] : memref<128xf32, #tpu.memory_space<vmem>>[vector<16xi32>], vector<16xf32>,
    %gather3A_624 = tpu.vector_load_idx %arg5[%gather3A_613] : memref<128xf32, #tpu.memory_space<vmem>>[vector<16xi32>], vector<16xf32>,
    %mul3A_625 = arith.mulf %gather3A_623, %gather3A_624 : vector<16xf32>
    %sub3A_626 = vector.broadcast %mul3A_550 : i32 to vector<16xi32>
    %sub3A_627 = arith.subi %gather3A_613, %sub3A_626 : vector<16xi32>
    %jit3A_628 = arith.constant 0 : i64
    %convert_element_type3A_629 = arith.trunci %jit3A_628 : i64 to i32
    %broadcast_in_dim3A_630 = vector.broadcast %convert_element_type3A_629 : i32 to vector<16xi32>
    %select_n3A_631 = arith.select %and3A_622, %sub3A_627, %broadcast_in_dim3A_630 : vector<16xi1>, vector<16xi32>
    tpu.vector_store_idx %arg6[%select_n3A_631, %gather3A_609], %mul3A_625 masked %and3A_622 {add = true} : memref<4x128xf32, #tpu.memory_space<vmem>>[vector<16xi32>, vector<16xi32>], vector<16xf32>, vector<16xi1>
    %add3A_632 = arith.constant 48 : i32
    %add3A_633 = vector.broadcast %add3A_632 : i32 to vector<16xi32>
    %add3A_634 = arith.addi %iota3A, %add3A_633 : vector<16xi32>
    %mul3A_635 = arith.constant 2 : i32
    %mul3A_636 = vector.broadcast %mul3A_635 : i32 to vector<16xi32>
    %mul3A_637 = arith.muli %add3A_634, %mul3A_636 : vector<16xi32>
    %gather3A_638 = tpu.vector_load_idx %arg4[%mul3A_637] : memref<512xi32, #tpu.memory_space<vmem>>[vector<16xi32>], vector<16xi32>,
    %add3A_639 = arith.constant 256 : i32
    %add3A_640 = vector.broadcast %add3A_639 : i32 to vector<16xi32>
    %add3A_641 = arith.addi %mul3A_637, %add3A_640 : vector<16xi32>
    %gather3A_642 = tpu.vector_load_idx %arg4[%add3A_641] : memref<512xi32, #tpu.memory_space<vmem>>[vector<16xi32>], vector<16xi32>,
    %ne3A_643 = arith.cmpi ne, %gather3A_638, %gather3A_642 : vector<16xi32>
    %ge3A_644 = vector.broadcast %mul3A_550 : i32 to vector<16xi32>
    %ge3A_645 = arith.cmpi sge, %gather3A_642, %ge3A_644 : vector<16xi32>
    %and3A_646 = arith.andi %ne3A_643, %ge3A_645 : vector<16xi1>
    %add3A_647 = arith.constant 4 : i32
    %add3A_648 = arith.addi %mul3A_550, %add3A_647 : i32
    %lt3A_649 = vector.broadcast %add3A_648 : i32 to vector<16xi32>
    %lt3A_650 = arith.cmpi slt, %gather3A_642, %lt3A_649 : vector<16xi32>
    %and3A_651 = arith.andi %and3A_646, %lt3A_650 : vector<16xi1>
    %gather3A_652 = tpu.vector_load_idx %arg5[%gather3A_638] : memref<128xf32, #tpu.memory_space<vmem>>[vector<16xi32>], vector<16xf32>,
    %gather3A_653 = tpu.vector_load_idx %arg5[%gather3A_642] : memref<128xf32, #tpu.memory_space<vmem>>[vector<16xi32>], vector<16xf32>,
    %mul3A_654 = arith.mulf %gather3A_652, %gather3A_653 : vector<16xf32>
    %sub3A_655 = vector.broadcast %mul3A_550 : i32 to vector<16xi32>
    %sub3A_656 = arith.subi %gather3A_642, %sub3A_655 : vector<16xi32>
    %jit3A_657 = arith.constant 0 : i64
    %convert_element_type3A_658 = arith.trunci %jit3A_657 : i64 to i32
    %broadcast_in_dim3A_659 = vector.broadcast %convert_element_type3A_658 : i32 to vector<16xi32>
    %select_n3A_660 = arith.select %and3A_651, %sub3A_656, %broadcast_in_dim3A_659 : vector<16xi1>, vector<16xi32>
    tpu.vector_store_idx %arg6[%select_n3A_660, %gather3A_638], %mul3A_654 masked %and3A_651 {add = true} : memref<4x128xf32, #tpu.memory_space<vmem>>[vector<16xi32>, vector<16xi32>], vector<16xf32>, vector<16xi1>
    %add3A_661 = arith.constant 64 : i32
    %add3A_662 = vector.broadcast %add3A_661 : i32 to vector<16xi32>
    %add3A_663 = arith.addi %iota3A, %add3A_662 : vector<16xi32>
    %mul3A_664 = arith.constant 2 : i32
    %mul3A_665 = vector.broadcast %mul3A_664 : i32 to vector<16xi32>
    %mul3A_666 = arith.muli %add3A_663, %mul3A_665 : vector<16xi32>
    %gather3A_667 = tpu.vector_load_idx %arg4[%mul3A_666] : memref<512xi32, #tpu.memory_space<vmem>>[vector<16xi32>], vector<16xi32>,
    %add3A_668 = arith.constant 256 : i32
    %add3A_669 = vector.broadcast %add3A_668 : i32 to vector<16xi32>
    %add3A_670 = arith.addi %mul3A_666, %add3A_669 : vector<16xi32>
    %gather3A_671 = tpu.vector_load_idx %arg4[%add3A_670] : memref<512xi32, #tpu.memory_space<vmem>>[vector<16xi32>], vector<16xi32>,
    %ne3A_672 = arith.cmpi ne, %gather3A_667, %gather3A_671 : vector<16xi32>
    %ge3A_673 = vector.broadcast %mul3A_550 : i32 to vector<16xi32>
    %ge3A_674 = arith.cmpi sge, %gather3A_671, %ge3A_673 : vector<16xi32>
    %and3A_675 = arith.andi %ne3A_672, %ge3A_674 : vector<16xi1>
    %add3A_676 = arith.constant 4 : i32
    %add3A_677 = arith.addi %mul3A_550, %add3A_676 : i32
    %lt3A_678 = vector.broadcast %add3A_677 : i32 to vector<16xi32>
    %lt3A_679 = arith.cmpi slt, %gather3A_671, %lt3A_678 : vector<16xi32>
    %and3A_680 = arith.andi %and3A_675, %lt3A_679 : vector<16xi1>
    %gather3A_681 = tpu.vector_load_idx %arg5[%gather3A_667] : memref<128xf32, #tpu.memory_space<vmem>>[vector<16xi32>], vector<16xf32>,
    %gather3A_682 = tpu.vector_load_idx %arg5[%gather3A_671] : memref<128xf32, #tpu.memory_space<vmem>>[vector<16xi32>], vector<16xf32>,
    %mul3A_683 = arith.mulf %gather3A_681, %gather3A_682 : vector<16xf32>
    %sub3A_684 = vector.broadcast %mul3A_550 : i32 to vector<16xi32>
    %sub3A_685 = arith.subi %gather3A_671, %sub3A_684 : vector<16xi32>
    %jit3A_686 = arith.constant 0 : i64
    %convert_element_type3A_687 = arith.trunci %jit3A_686 : i64 to i32
    %broadcast_in_dim3A_688 = vector.broadcast %convert_element_type3A_687 : i32 to vector<16xi32>
    %select_n3A_689 = arith.select %and3A_680, %sub3A_685, %broadcast_in_dim3A_688 : vector<16xi1>, vector<16xi32>
    tpu.vector_store_idx %arg6[%select_n3A_689, %gather3A_667], %mul3A_683 masked %and3A_680 {add = true} : memref<4x128xf32, #tpu.memory_space<vmem>>[vector<16xi32>, vector<16xi32>], vector<16xf32>, vector<16xi1>
    %add3A_690 = arith.constant 80 : i32
    %add3A_691 = vector.broadcast %add3A_690 : i32 to vector<16xi32>
    %add3A_692 = arith.addi %iota3A, %add3A_691 : vector<16xi32>
    %mul3A_693 = arith.constant 2 : i32
    %mul3A_694 = vector.broadcast %mul3A_693 : i32 to vector<16xi32>
    %mul3A_695 = arith.muli %add3A_692, %mul3A_694 : vector<16xi32>
    %gather3A_696 = tpu.vector_load_idx %arg4[%mul3A_695] : memref<512xi32, #tpu.memory_space<vmem>>[vector<16xi32>], vector<16xi32>,
    %add3A_697 = arith.constant 256 : i32
    %add3A_698 = vector.broadcast %add3A_697 : i32 to vector<16xi32>
    %add3A_699 = arith.addi %mul3A_695, %add3A_698 : vector<16xi32>
    %gather3A_700 = tpu.vector_load_idx %arg4[%add3A_699] : memref<512xi32, #tpu.memory_space<vmem>>[vector<16xi32>], vector<16xi32>,
    %ne3A_701 = arith.cmpi ne, %gather3A_696, %gather3A_700 : vector<16xi32>
    %ge3A_702 = vector.broadcast %mul3A_550 : i32 to vector<16xi32>
    %ge3A_703 = arith.cmpi sge, %gather3A_700, %ge3A_702 : vector<16xi32>
    %and3A_704 = arith.andi %ne3A_701, %ge3A_703 : vector<16xi1>
    %add3A_705 = arith.constant 4 : i32
    %add3A_706 = arith.addi %mul3A_550, %add3A_705 : i32
    %lt3A_707 = vector.broadcast %add3A_706 : i32 to vector<16xi32>
    %lt3A_708 = arith.cmpi slt, %gather3A_700, %lt3A_707 : vector<16xi32>
    %and3A_709 = arith.andi %and3A_704, %lt3A_708 : vector<16xi1>
    %gather3A_710 = tpu.vector_load_idx %arg5[%gather3A_696] : memref<128xf32, #tpu.memory_space<vmem>>[vector<16xi32>], vector<16xf32>,
    %gather3A_711 = tpu.vector_load_idx %arg5[%gather3A_700] : memref<128xf32, #tpu.memory_space<vmem>>[vector<16xi32>], vector<16xf32>,
    %mul3A_712 = arith.mulf %gather3A_710, %gather3A_711 : vector<16xf32>
    %sub3A_713 = vector.broadcast %mul3A_550 : i32 to vector<16xi32>
    %sub3A_714 = arith.subi %gather3A_700, %sub3A_713 : vector<16xi32>
    %jit3A_715 = arith.constant 0 : i64
    %convert_element_type3A_716 = arith.trunci %jit3A_715 : i64 to i32
    %broadcast_in_dim3A_717 = vector.broadcast %convert_element_type3A_716 : i32 to vector<16xi32>
    %select_n3A_718 = arith.select %and3A_709, %sub3A_714, %broadcast_in_dim3A_717 : vector<16xi1>, vector<16xi32>
    tpu.vector_store_idx %arg6[%select_n3A_718, %gather3A_696], %mul3A_712 masked %and3A_709 {add = true} : memref<4x128xf32, #tpu.memory_space<vmem>>[vector<16xi32>, vector<16xi32>], vector<16xf32>, vector<16xi1>
    %add3A_719 = arith.constant 96 : i32
    %add3A_720 = vector.broadcast %add3A_719 : i32 to vector<16xi32>
    %add3A_721 = arith.addi %iota3A, %add3A_720 : vector<16xi32>
    %mul3A_722 = arith.constant 2 : i32
    %mul3A_723 = vector.broadcast %mul3A_722 : i32 to vector<16xi32>
    %mul3A_724 = arith.muli %add3A_721, %mul3A_723 : vector<16xi32>
    %gather3A_725 = tpu.vector_load_idx %arg4[%mul3A_724] : memref<512xi32, #tpu.memory_space<vmem>>[vector<16xi32>], vector<16xi32>,
    %add3A_726 = arith.constant 256 : i32
    %add3A_727 = vector.broadcast %add3A_726 : i32 to vector<16xi32>
    %add3A_728 = arith.addi %mul3A_724, %add3A_727 : vector<16xi32>
    %gather3A_729 = tpu.vector_load_idx %arg4[%add3A_728] : memref<512xi32, #tpu.memory_space<vmem>>[vector<16xi32>], vector<16xi32>,
    %ne3A_730 = arith.cmpi ne, %gather3A_725, %gather3A_729 : vector<16xi32>
    %ge3A_731 = vector.broadcast %mul3A_550 : i32 to vector<16xi32>
    %ge3A_732 = arith.cmpi sge, %gather3A_729, %ge3A_731 : vector<16xi32>
    %and3A_733 = arith.andi %ne3A_730, %ge3A_732 : vector<16xi1>
    %add3A_734 = arith.constant 4 : i32
    %add3A_735 = arith.addi %mul3A_550, %add3A_734 : i32
    %lt3A_736 = vector.broadcast %add3A_735 : i32 to vector<16xi32>
    %lt3A_737 = arith.cmpi slt, %gather3A_729, %lt3A_736 : vector<16xi32>
    %and3A_738 = arith.andi %and3A_733, %lt3A_737 : vector<16xi1>
    %gather3A_739 = tpu.vector_load_idx %arg5[%gather3A_725] : memref<128xf32, #tpu.memory_space<vmem>>[vector<16xi32>], vector<16xf32>,
    %gather3A_740 = tpu.vector_load_idx %arg5[%gather3A_729] : memref<128xf32, #tpu.memory_space<vmem>>[vector<16xi32>], vector<16xf32>,
    %mul3A_741 = arith.mulf %gather3A_739, %gather3A_740 : vector<16xf32>
    %sub3A_742 = vector.broadcast %mul3A_550 : i32 to vector<16xi32>
    %sub3A_743 = arith.subi %gather3A_729, %sub3A_742 : vector<16xi32>
    %jit3A_744 = arith.constant 0 : i64
    %convert_element_type3A_745 = arith.trunci %jit3A_744 : i64 to i32
    %broadcast_in_dim3A_746 = vector.broadcast %convert_element_type3A_745 : i32 to vector<16xi32>
    %select_n3A_747 = arith.select %and3A_738, %sub3A_743, %broadcast_in_dim3A_746 : vector<16xi1>, vector<16xi32>
    tpu.vector_store_idx %arg6[%select_n3A_747, %gather3A_725], %mul3A_741 masked %and3A_738 {add = true} : memref<4x128xf32, #tpu.memory_space<vmem>>[vector<16xi32>, vector<16xi32>], vector<16xf32>, vector<16xi1>
    %add3A_748 = arith.constant 112 : i32
    %add3A_749 = vector.broadcast %add3A_748 : i32 to vector<16xi32>
    %add3A_750 = arith.addi %iota3A, %add3A_749 : vector<16xi32>
    %mul3A_751 = arith.constant 2 : i32
    %mul3A_752 = vector.broadcast %mul3A_751 : i32 to vector<16xi32>
    %mul3A_753 = arith.muli %add3A_750, %mul3A_752 : vector<16xi32>
    %gather3A_754 = tpu.vector_load_idx %arg4[%mul3A_753] : memref<512xi32, #tpu.memory_space<vmem>>[vector<16xi32>], vector<16xi32>,
    %add3A_755 = arith.constant 256 : i32
    %add3A_756 = vector.broadcast %add3A_755 : i32 to vector<16xi32>
    %add3A_757 = arith.addi %mul3A_753, %add3A_756 : vector<16xi32>
    %gather3A_758 = tpu.vector_load_idx %arg4[%add3A_757] : memref<512xi32, #tpu.memory_space<vmem>>[vector<16xi32>], vector<16xi32>,
    %ne3A_759 = arith.cmpi ne, %gather3A_754, %gather3A_758 : vector<16xi32>
    %ge3A_760 = vector.broadcast %mul3A_550 : i32 to vector<16xi32>
    %ge3A_761 = arith.cmpi sge, %gather3A_758, %ge3A_760 : vector<16xi32>
    %and3A_762 = arith.andi %ne3A_759, %ge3A_761 : vector<16xi1>
    %add3A_763 = arith.constant 4 : i32
    %add3A_764 = arith.addi %mul3A_550, %add3A_763 : i32
    %lt3A_765 = vector.broadcast %add3A_764 : i32 to vector<16xi32>
    %lt3A_766 = arith.cmpi slt, %gather3A_758, %lt3A_765 : vector<16xi32>
    %and3A_767 = arith.andi %and3A_762, %lt3A_766 : vector<16xi1>
    %gather3A_768 = tpu.vector_load_idx %arg5[%gather3A_754] : memref<128xf32, #tpu.memory_space<vmem>>[vector<16xi32>], vector<16xf32>,
    %gather3A_769 = tpu.vector_load_idx %arg5[%gather3A_758] : memref<128xf32, #tpu.memory_space<vmem>>[vector<16xi32>], vector<16xf32>,
    %mul3A_770 = arith.mulf %gather3A_768, %gather3A_769 : vector<16xf32>
    %sub3A_771 = vector.broadcast %mul3A_550 : i32 to vector<16xi32>
    %sub3A_772 = arith.subi %gather3A_758, %sub3A_771 : vector<16xi32>
    %jit3A_773 = arith.constant 0 : i64
    %convert_element_type3A_774 = arith.trunci %jit3A_773 : i64 to i32
    %broadcast_in_dim3A_775 = vector.broadcast %convert_element_type3A_774 : i32 to vector<16xi32>
    %select_n3A_776 = arith.select %and3A_767, %sub3A_772, %broadcast_in_dim3A_775 : vector<16xi1>, vector<16xi32>
    tpu.vector_store_idx %arg6[%select_n3A_776, %gather3A_754], %mul3A_770 masked %and3A_767 {add = true} : memref<4x128xf32, #tpu.memory_space<vmem>>[vector<16xi32>, vector<16xi32>], vector<16xf32>, vector<16xi1>
    %lt3A_777 = arith.constant 4 : i32
    %lt3A_778 = vector.broadcast %lt3A_777 : i32 to vector<16xi32>
    %lt3A_779 = arith.cmpi slt, %iota3A, %lt3A_778 : vector<16xi32>
    %add3A_780 = vector.broadcast %mul3A_550 : i32 to vector<16xi32>
    %add3A_781 = arith.addi %add3A_780, %iota3A : vector<16xi32>
    %jit3A_782 = arith.constant 0 : i64
    %convert_element_type3A_783 = arith.trunci %jit3A_782 : i64 to i32
    %broadcast_in_dim3A_784 = vector.broadcast %convert_element_type3A_783 : i32 to vector<16xi32>
    %select_n3A_785 = arith.select %lt3A_779, %add3A_781, %broadcast_in_dim3A_784 : vector<16xi1>, vector<16xi32>
    %gather3A_786 = tpu.vector_load_idx %arg5[%select_n3A_785] : memref<128xf32, #tpu.memory_space<vmem>>[vector<16xi32>], vector<16xf32>,
    %jit3A_787 = arith.constant 0 : i64
    %convert_element_type3A_788 = arith.trunci %jit3A_787 : i64 to i32
    %broadcast_in_dim3A_789 = vector.broadcast %convert_element_type3A_788 : i32 to vector<16xi32>
    %select_n3A_790 = arith.select %lt3A_779, %iota3A, %broadcast_in_dim3A_789 : vector<16xi1>, vector<16xi32>
    %mul3A_791 = arith.mulf %gather3A_786, %gather3A_786 : vector<16xf32>
    tpu.vector_store_idx %arg6[%select_n3A_790, %select_n3A_785], %mul3A_791 masked %lt3A_779 {add = true} : memref<4x128xf32, #tpu.memory_space<vmem>>[vector<16xi32>, vector<16xi32>], vector<16xf32>, vector<16xi1>
    %mul3A_792 = arith.constant 4 : i32
    %mul3A_793 = arith.muli %add3A, %mul3A_792 : i32
    "tpu.region"() ({
      %run_scoped3A = tpu.sem_alloc : memref<!tpu.dma_semaphore, #tpu.memory_space<semaphore_mem>>
      %dma_start3A = arith.constant 0 : i32
      %dma_start3A_794 = tpu.memref_slice %arg3[%mul3A_793, %dma_start3A] : memref<128x128xf32, #tpu.memory_space<hbm>> -> memref<4x128xf32, #tpu.memory_space<hbm>>
      %dma_start3A_795 = arith.constant 0 : i32
      %dma_start3A_796 = tpu.memref_slice %arg3[%mul3A_793, %dma_start3A_795] : memref<128x128xf32, #tpu.memory_space<hbm>> -> memref<4x128xf32, #tpu.memory_space<hbm>>
      tpu.enqueue_dma source(%arg6 : memref<4x128xf32, #tpu.memory_space<vmem>>) target(%dma_start3A_796 : memref<4x128xf32, #tpu.memory_space<hbm>>) target_semaphore(%run_scoped3A : memref<!tpu.dma_semaphore, #tpu.memory_space<semaphore_mem>>)
      %dma_wait3A = arith.constant 0 : i32
      %dma_wait3A_797 = tpu.memref_slice %arg3[%mul3A_793, %dma_wait3A] : memref<128x128xf32, #tpu.memory_space<hbm>> -> memref<4x128xf32, #tpu.memory_space<hbm>>
      %dma_wait3A_798 = arith.constant 0 : i32
      %dma_wait3A_799 = tpu.memref_slice %arg3[%mul3A_793, %dma_wait3A_798] : memref<128x128xf32, #tpu.memory_space<hbm>> -> memref<4x128xf32, #tpu.memory_space<hbm>>
      tpu.wait_dma2 semaphore(%run_scoped3A : memref<!tpu.dma_semaphore, #tpu.memory_space<semaphore_mem>>) src(%arg6 : memref<4x128xf32, #tpu.memory_space<vmem>>) dst(%dma_wait3A_799 : memref<4x128xf32, #tpu.memory_space<hbm>>)
      tpu.yield
    }) : () -> ()
    return
  }
}

module attributes {stable_mosaic.version = 14 : i64} {
  func.func @_tc_h_body(%arg0: memref<128x512xf32, #tpu.memory_space<vmem>>, %arg1: memref<128x512xf32, #tpu.memory_space<vmem>>, %arg2: memref<128x128xf32, #tpu.memory_space<vmem>>) attributes {dimension_semantics = [], scalar_prefetch = 0 : i64, scratch_operands = 0 : i64, tpu.core_type = #tpu.core_type<tc>} {
    %get3A = arith.constant 0 : index
    %get3A_0 = arith.constant 0 : index
    %get3A_1 = vector.load %arg0[%get3A, %get3A_0] : memref<128x512xf32, #tpu.memory_space<vmem>>, vector<128x512xf32>
    %get3A_2 = arith.constant 0 : index
    %get3A_3 = arith.constant 0 : index
    %get3A_4 = vector.load %arg1[%get3A_2, %get3A_3] : memref<128x512xf32, #tpu.memory_space<vmem>>, vector<128x512xf32>
    %dot_general3A = arith.constant dense<0.000000e+00> : vector<128x128xf32>
    %dot_general3A_5 = tpu.matmul %get3A_1, %get3A_4, %dot_general3A {dimension_numbers = #tpu.dot_dimension_numbers<[1], [1], [0], [0], [0, 0, 1, 0], [], []>, transpose_lhs_hint = false} : vector<128x512xf32>, vector<128x512xf32>, vector<128x128xf32> -> vector<128x128xf32>
    %swap3A = arith.constant 0 : index
    %swap3A_6 = arith.constant 0 : index
    %swap3A_7 = vector.load %arg2[%swap3A, %swap3A_6] : memref<128x128xf32, #tpu.memory_space<vmem>>, vector<128x128xf32>
    tpu.vector_store %arg2[%swap3A, %swap3A_6], %dot_general3A_5 {strides = array<i32>} : memref<128x128xf32, #tpu.memory_space<vmem>>, vector<128x128xf32>,
    return
  }
}

module attributes {stable_mosaic.version = 14 : i64} {
  func.func @_tc_head_body(%arg0: memref<128x128xf32, #tpu.memory_space<vmem>>, %arg1: memref<128x128xf32, #tpu.memory_space<vmem>>, %arg2: memref<1x128xf32, #tpu.memory_space<vmem>>, %arg3: memref<512x128xf32, #tpu.memory_space<vmem>>, %arg4: memref<1x512xf32, #tpu.memory_space<vmem>>, %arg5: memref<128x512xf32, #tpu.memory_space<vmem>>) attributes {dimension_semantics = [], scalar_prefetch = 0 : i64, scratch_operands = 0 : i64, tpu.core_type = #tpu.core_type<tc>} {
    %get3A = arith.constant 0 : index
    %get3A_0 = arith.constant 0 : index
    %get3A_1 = vector.load %arg0[%get3A, %get3A_0] : memref<128x128xf32, #tpu.memory_space<vmem>>, vector<128x128xf32>
    %get3A_2 = arith.constant 0 : index
    %get3A_3 = arith.constant 0 : index
    %get3A_4 = vector.load %arg1[%get3A_2, %get3A_3] : memref<128x128xf32, #tpu.memory_space<vmem>>, vector<128x128xf32>
    %dot_general3A = arith.constant dense<0.000000e+00> : vector<128x128xf32>
    %dot_general3A_5 = tpu.matmul %get3A_1, %get3A_4, %dot_general3A {dimension_numbers = #tpu.dot_dimension_numbers<[1], [0], [0], [1], [0, 0, 1, 1], [], []>, transpose_lhs_hint = false} : vector<128x128xf32>, vector<128x128xf32>, vector<128x128xf32> -> vector<128x128xf32>
    %get3A_6 = arith.constant 0 : index
    %get3A_7 = arith.constant 0 : index
    %get3A_8 = vector.load %arg2[%get3A_6, %get3A_7] : memref<1x128xf32, #tpu.memory_space<vmem>>, vector<1x128xf32>
    %add3A = vector.broadcast %get3A_8 : vector<1x128xf32> to vector<128x128xf32>
    %add3A_9 = arith.addf %dot_general3A_5, %add3A : vector<128x128xf32>
    %get3A_10 = arith.constant 0 : index
    %get3A_11 = arith.constant 0 : index
    %get3A_12 = vector.load %arg3[%get3A_10, %get3A_11] : memref<512x128xf32, #tpu.memory_space<vmem>>, vector<512x128xf32>
    %dot_general3A_13 = arith.constant dense<0.000000e+00> : vector<128x512xf32>
    %dot_general3A_14 = tpu.matmul %add3A_9, %get3A_12, %dot_general3A_13 {dimension_numbers = #tpu.dot_dimension_numbers<[1], [1], [0], [0], [0, 0, 1, 0], [], []>, transpose_lhs_hint = false} : vector<128x128xf32>, vector<512x128xf32>, vector<128x512xf32> -> vector<128x512xf32>
    %get3A_15 = arith.constant 0 : index
    %get3A_16 = arith.constant 0 : index
    %get3A_17 = vector.load %arg4[%get3A_15, %get3A_16] : memref<1x512xf32, #tpu.memory_space<vmem>>, vector<1x512xf32>
    %add3A_18 = vector.broadcast %get3A_17 : vector<1x512xf32> to vector<128x512xf32>
    %add3A_19 = arith.addf %dot_general3A_14, %add3A_18 : vector<128x512xf32>
    %swap3A = arith.constant 0 : index
    %swap3A_20 = arith.constant 0 : index
    %swap3A_21 = vector.load %arg5[%swap3A, %swap3A_20] : memref<128x512xf32, #tpu.memory_space<vmem>>, vector<128x512xf32>
    tpu.vector_store %arg5[%swap3A, %swap3A_20], %add3A_19 {strides = array<i32>} : memref<128x512xf32, #tpu.memory_space<vmem>>, vector<128x512xf32>,
    return
  }
}

</mosaic_0001>

<sc_bundles>
// kernel: kernel.5.cloned.1.call-start
scs
__scs_entry_jumppad:
0x0: {  	(pc) =	sbr.rel $0x88, $3  }
0x1: {  	(tag) =	ssettag $0x0;
	lr =	simm.s32 $0x1  }
0x2: {  	[smem:$0x3F9B] =	sst lr;
	_ =	strace $0xD0000000  }
0x3: {  	_ = 	snop  }
0x4: {  	_ = 	snop  }
0x5: {  	_ = 	snop  }
0x6: {  	_ = 	snop  }
0x7: {  	_ = 	snop  }
__scs_overlays_trampoline_lowered:
0x8: {  	[smem:$0x3FAA] =	sst s0  }
0x9: {  	[smem:$0x3FAB] =	sst s1  }
0xa: {  	[smem:$0x3FAC] =	sst s2  }
0xb: {  	[smem:$0x3FAD] =	sst s3  }
0xc: {  	[smem:$0x3FAE] =	sst s4  }
0xd: {  	[smem:$0x3FAF] =	sst s5  }
0xe: {  	[smem:$0x3FB0] =	sst s6  }
0xf: {  	[smem:$0x3FB1] =	sst s7  }
0x10: {  	[smem:$0x3FB2] =	sst s8  }
0x11: {  	[smem:$0x3FB3] =	sst s9;
	s0 =	simm.s32 @!p0 $0x0  }
0x12: {  	s1 =	sld [smem:$0x3F99];
	s0 =	simm.s32 @p0 $0x1  }
0x13: {  	[smem:$0x3FB4] =	sst s0;
	s0 =	simm.s32 @!p1 $0x0  }
0x14: {  	s2 =	sld [smem:$0x3F98];
	s0 =	simm.s32 @p1 $0x1  }
0x15: {  	[smem:$0x3FB5] =	sst s0;
	s0 =	simm.s32 @!p2 $0x0  }
0x16: {  	s3 =	sld [smem:$0x3FDB];
	s0 =	simm.s32 @p2 $0x1  }
0x17: {  	s4 =	simm.s32 $0x1BF5;
	[smem:$0x3FB7] =	sst s0  }
0x18: {  	s0 =	sld [smem:$0x3F9A];
	_ =	swait.ge [sflag:s4], $0x0  }
0x19: {  	s7 =	sld [smem:$0x3F9B]  }
0x1a: {  	s8 =	sadd.s32 $0xFFFFE003, lr  }
0x1b: {  	s9 =	sadd.s32 $0xFFFFFEF7, lr;
	s5 =	simm.s32 $0xFFFFFFFF;
	p2 =	slt.u32 s8, $0xFFFFF086  }
0x1c: {  	p1 =	slt.u32 s9, $0xF7A;
	s5 =	simm.s32 @!p2 $0x0  }
0x1d: {  	s5 =	simm.s32 @p1 $0x1;
	p0 =	seq.s32 s7, s2  }
0x1e: {  	s7 =	smul.u32 @!p0 $0xF7A, s2;
	p2 =	seq.s32 @!p0 s5, $0x0  }
0x1f: {  	s9 =	smul.u32 $0xF7A, s1;
	s8 =	simm.s32 @!p0 $0x1BF5;
	p2 =	por !p2, p0  }
0x20: {  	[sflag:s8] =	ssyncset.s32 @!p0 $0xFFFFF086;
	s6 =	sadd.s32 @!p0 s3, s7;
	s7 =	simm.s32 @!p0 $0x108  }
0x21: {  	s3 =	sadd.s32 s3, s9;
	s6 =	sadd.s32 @!p0 $0x88, s6;
	s7 =	simm.s32 @p2 $0x1082  }
0x22: {  	[simem:s7], [sflag:s8] =	dma.local @!p0 [hbm:s6], $0xF7A  }
0x23: {  	s9 =	sor.u32 $0xD0000000, s2;
	s6 =	simm.s32 $0x108;
	_ =	swait.ge @!p0 [sflag:s8], $0x0  }
0x24: {  	s3 =	sadd.s32 $0x88, s3;
	s6 =	simm.s32 @!p1 $0x1082;
	[sflag:s4] =	ssyncset.s32 $0xFFFFF086  }
0x25: {  	[simem:s6], [sflag:s4] =	dma.local [hbm:s3], $0xF7A  }
0x26: {  	[smem:$0x3F9B] =	sst s1;
	(tag) =	ssettag s2;
	_ =	strace s9  }
0x27: {  	s1 =	sld [smem:$0x3FAB]  }
0x28: {  	s2 =	sld [smem:$0x3FAC]  }
0x29: {  	s4 =	sld [smem:$0x3FAE]  }
0x2a: {  	p0 =	seq.s32 s5, $0x0;
	s5 =	sld [smem:$0x3FAF]  }
0x2b: {  	s6 =	sld [smem:$0x3FB0]  }
0x2c: {  	s7 =	sld [smem:$0x3FB1]  }
0x2d: {  	s3 =	simm.s32 $0x108;
	s8 =	sld [smem:$0x3FB2]  }
0x2e: {  	s3 =	simm.s32 @!p0 $0x1082;
	s9 =	sld [smem:$0x3FB3]  }
0x2f: {  	lr =	sadd.s32 s0, s3;
	s0 =	sld [smem:$0x3FAA]  }
0x30: {  	s3 =	sld [smem:$0x3FAD]  }
0x31: {  	[smem:$0x3FB6] =	sst s10  }
0x32: {  	s10 =	sld [smem:$0x3FB4];
	_ =	sdelay $0x3  }
0x33: {  	p0 =	seq.s32 s10, $0x1;
	s10 =	sld [smem:$0x3FB6];
	_ =	sdelay $0x3  }
0x34: {  	[smem:$0x3FB6] =	sst s10  }
0x35: {  	s10 =	sld [smem:$0x3FB5];
	_ =	sdelay $0x3  }
0x36: {  	p1 =	seq.s32 s10, $0x1;
	s10 =	sld [smem:$0x3FB6];
	_ =	sdelay $0x3  }
0x37: {  	[smem:$0x3FB6] =	sst s10  }
0x38: {  	s10 =	sld [smem:$0x3FB7]  }
0x39: {  	_ = 	snop;
	(pc) =	sbr.ind lr, $3  }
0x3a: {  	_ = 	snop  }
0x3b: {  	_ = 	snop  }
0x3c: {  	p2 =	seq.s32 s10, $0x1;
	s10 =	sld [smem:$0x3FB6]  }
0x3d: {  	_ =	shalt  }
0x3e: {  	_ =	shalt  }
0x3f: {  	_ =	shalt  }
0x40: {  	_ =	shalt  }
0x41: {  	_ =	shalt  }
0x42: {  	_ =	shalt  }
0x43: {  	_ =	shalt  }
0x44: {  	_ =	shalt  }
0x45: {  	_ =	shalt  }
0x46: {  	_ =	shalt  }
0x47: {  	_ =	shalt  }
0x48: {  	_ =	shalt  }
0x49: {  	_ =	shalt  }
0x4a: {  	_ =	shalt  }
0x4b: {  	_ =	shalt  }
0x4c: {  	_ =	shalt  }
0x4d: {  	_ =	shalt  }
0x4e: {  	_ =	shalt  }
0x4f: {  	_ =	shalt  }
0x50: {  	_ =	shalt  }
0x51: {  	_ =	shalt  }
0x52: {  	_ =	shalt  }
0x53: {  	_ =	shalt  }
0x54: {  	_ =	shalt  }
0x55: {  	_ =	shalt  }
0x56: {  	_ =	shalt  }
0x57: {  	_ =	shalt  }
0x58: {  	_ =	shalt  }
0x59: {  	_ =	shalt  }
0x5a: {  	_ =	shalt  }
0x5b: {  	_ =	shalt  }
0x5c: {  	_ =	shalt  }
0x5d: {  	_ =	shalt  }
0x5e: {  	_ =	shalt  }
0x5f: {  	_ =	shalt  }
0x60: {  	_ =	shalt  }
0x61: {  	_ =	shalt  }
0x62: {  	_ =	shalt  }
0x63: {  	_ =	shalt  }
0x64: {  	_ =	shalt  }
0x65: {  	_ =	shalt  }
0x66: {  	_ =	shalt  }
0x67: {  	_ =	shalt  }
0x68: {  	_ =	shalt  }
0x69: {  	_ =	shalt  }
0x6a: {  	_ =	shalt  }
0x6b: {  	_ =	shalt  }
0x6c: {  	_ =	shalt  }
0x6d: {  	_ =	shalt  }
0x6e: {  	_ =	shalt  }
0x6f: {  	_ =	shalt  }
0x70: {  	_ =	shalt  }
0x71: {  	_ =	shalt  }
0x72: {  	_ =	shalt  }
0x73: {  	_ =	shalt  }
0x74: {  	_ =	shalt  }
0x75: {  	_ =	shalt  }
0x76: {  	_ =	shalt  }
0x77: {  	_ =	shalt  }
0x78: {  	_ =	shalt  }
0x79: {  	_ =	shalt  }
0x7a: {  	_ =	shalt  }
0x7b: {  	_ =	shalt  }
0x7c: {  	_ =	shalt  }
0x7d: {  	_ =	shalt  }
0x7e: {  	_ =	shalt  }
0x7f: {  	_ =	shalt  }
0x80: {  	_ =	shalt  }
0x81: {  	_ =	shalt  }
0x82: {  	_ =	shalt  }
0x83: {  	_ =	shalt  }
0x84: {  	_ =	shalt  }
0x85: {  	_ =	shalt  }
0x86: {  	_ =	shalt  }
0x87: {  	_ =	shalt  }
.Lfunc_end0:
.L_simem_size_0:
called_computation_lowered:
.L_overlay_start_0:
0x88: {  	s2 =	sld [smem:$0x3FD9]  }
0x89: {  	s3 =	sld [smem:$0x3FFE];
	_ =	sdelay $0x1  }
0x8a: {  	s1 =	srdreg.scid  }
0x8b: {  	s0 =	sand.u32 $0x1, s1  }
0x8c: {  	s17 =	sshll.u32 s0, $0xA;
	s2 =	sadd.s32 s3, s2  }
0x8d: {  	s2 =	sadd.s32 s2, s17  }
0x8e: {  	[smem:$0x3FC2] =	sst s2  }
0x8f: {  	_ = 	snop  }
0x90: {  	s2 =	sld [smem:$0x3FD0];
	(tm) =	ssettm $0x1  }
0x91: {  	s18 =	sld [smem:$0x3FFB];
	_ =	sdelay $0x3  }
0x92: {  	_ =	strace s18  }
0x93: {  	s3 =	sld [smem:$0x3FFC];
	_ =	sdelay $0x3  }
0x94: {  	_ =	strace s3  }
0x95: {  	s3 =	sld [smem:$0x3FFD];
	_ =	sdelay $0x3  }
0x96: {  	_ =	strace s3  }
0x97: {  	_ =	strace $0x8FFFFFFF  }
0x98: {  	s19 =	sld [smem:$0x3FDB];
	_ =	sdelay $0x1  }
0x99: {  	s4 =	simm.s32 $_scs_section_size  }
0x9a: {  	s5 =	simm.s32 $_size__tile_overlayer_lowered;
	s6 =	simm.s32 $_tile_overlayer_lowered  }
0x9b: {  	s22 =	simm.s32 $0x1BFF;
	s21 =	sshll.u32 s6, $0x1;
	s3 =	sadd.s32 s4, s19  }
0x9c: {  	s7 =	simm.s32 $0x0;
	s20 =	sshll.u32 s5, $0x1;
	s5 =	sadd.s32 s21, s3  }
0x9d: {  	[timem:s7], [sflag:s22] =	dma.local [hbm:s5], s20  }
0x9e: {  	_ =	swait.ge [sflag:s22], s20  }
0x9f: {  	s4 =	ssub.s32 $0x0, s20;
	[sflag:s22] =	ssyncset.done $0x0  }
0xa0: {  	[sflag:s22] =	ssyncadd.s32 s4;
	_ =	sdelay $0x1  }
0xa1: {  	s23 =	simm.s32 $0x1B8B  }
0xa2: {  	_ =	swait.ge [sflag:s23], $0x1  }
0xa3: {  	[sflag:s23] =	ssyncset.done $0x0  }
0xa4: {  	s25 =	simm.s32 $0x1B8E;
	s24 =	sld [smem:$0x3FFE];
	[sflag:s23] =	ssyncadd.s32 $0xFFFFFFFF  }
0xa5: {  	s26 =	simm.s32 $execute0_lowered;
	[smem:$0x3FD2] =	sst s25  }
0xa6: {  	s5 =	sshll.u32 s26, $0x1;
	_ =	strace $0x80000046;
	[dreg:$0x1] =	wrdreg $0xFFFFFFFF  }
0xa7: {  	s28 =	simm.s32 $_size_execute0_lowered;
	s3 =	sadd.s32 s3, s5;
	[dreg:$0x0] =	wrdreg $0x0  }
0xa8: {  	s5 =	sshll.u32 s28, $0x1;
	[dreg:$0x2] =	wrdreg s3  }
0xa9: {  	[dreg:$0x3] =	wrdreg s5  }
0xaa: {  	[dreg:$0x4] =	wrdreg $0xC0  }
0xab: {  	_ =	task [dreg:s7], $0x5FFFF  }
0xac: {  	[dreg:$0x1] =	wrdreg $0xFFFFFFFF  }
0xad: {  	[dreg:$0x0] =	wrdreg $0x60  }
0xae: {  	[dreg:$0x2] =	wrdreg s24  }
0xaf: {  	[dreg:$0x3] =	wrdreg s2  }
0xb0: {  	[dreg:$0x4] =	wrdreg $0x9  }
0xb1: {  	_ =	task.clear_ibuf [dreg:s7], $0x5FFFF;
	_ =	strace $0x90000046  }
0xb2: {  	s29 =	simm.s32 $0x9;
	_ =	strace $0x80000048  }
0xb3: {  	_ =	swait.ge [sflag:s29], $0x1  }
0xb4: {  	[sflag:s29] =	ssyncadd.s32 $0xFFFFFFFF  }
0xb5: {  	_ =	strace $0x90000048  }
0xb6: {  	_ =	sfence  }
0xb7: {  	s30 =	sld [smem:$0x0];
	_ =	sdelay $0x2  }
0xb8: {  	s31 =	sshll.u32 s1, $0xD;
	s1 =	sshrl.u32 s1, $0x2  }
0xb9: {  	s3 =	sand.u32 $0x4000, s31;
	s1 =	sadd.s32 s1, s30  }
0xba: {  	s0 =	sor.u32 s3, s0;
	s1 =	sshll.u32 s1, $0x11  }
0xbb: {  	s0 =	sor.u32 s1, s0  }
0xbc: {  	s0 =	sadd.s32 $0x8F2B, s0  }
0xbd: {  	[sflag:s0] =	ssyncadd.remote.s32 $0x1  }
0xbe: {  	_ =	sfence.sel $0xFFFF  }
0xbf: {  	[dreg:$0x0] =	wrdreg $0xFFFFFFFF;
	(pc) =	sbr.abs _section_cstart, $3  }
0xc0: {  	[dreg:$0x1] =	wrdreg $0xFFFFFFFF  }
0xc1: {  	_ =	task.clear_ibuf [dreg:s7], $0x2FFFF;
	_ =	strace $0x9FFFFFFF  }
0xc2: {  	(tm) =	ssettm $0x7FFFFFFF  }
0xc3: {  	_ =	shalt  }
tec
execute0_lowered:
.L_overlay_start_1:
0x0: {  	(tag) =	ssettag $0x1  }
0x1: {  	s1 =	srdreg.scid  }
0x2: {  	s0 =	stileid.u32;
	v1 =	vimm.s32 $0x0;
	vm1 =	vcmask $0x704;
	s3 =	sand.u32 $0x1, s1  }
0x3: {  	v3 =	vlaneseq.u32;
	vm14 =	vcmask $0xB08;
	s30 =	sshll.u32 s0, $0x3;
	v2 =	vsel vm1, $0x80, v1;
	s2 =	sshll.u32 s3, $0x2  }
0x4: {  	vm0 =	vmmov $0xf;
	vm15 =	vcmask $0xF0C;
	v4 =	vsel vm14, $0x100, v2;
	s1 =	sor.u32 s2, s30  }
0x5: {  	v5 =	vimm.f32 $0.0e+00;
	v4 =	vsel vm15, $0x180, v4;
	v0 =	vor.u32 s1, v3  }
0x6: {  	s4 =	rddreg [dreg:$0x0];
	v1 =	vmov s1;
	s1 =	sadd.s32 $0x4, s1;
	v3 =	vmul.u32 $0x2, v3;
	v0 =	vnsel vm0, $0x0, v0  }
0x7: {  	s5 =	rddreg [dreg:$0x1];
	v6 =	vimm.f32 $1.000000000e+00;
	s8 =	simm.s32 $0x280;
	v2 =	vmov s1;
	v4 =	vor.u32 v4, v0  }
0x8: {  	s31 =	sshll.u32 s0, $0x7;
	s6 =	ssub.s32 $0x2, s3;
	s3 =	sshll.u32 s3, $0x6;
	v7 =	vor.u32 $0x100, v3;
	v8 =	vor.u32 $0x20, v3;
	v9 =	vor.u32 $0x120, v3  }
0x9: {  	s2 =	simm.s32 $0x0;
	s7 =	sshrl.u32 s6, $0x1;
	s5 =	sadd.s32 s5, s3;
	v10 =	vor.u32 $0x40, v3;
	v11 =	vor.u32 $0x140, v3;
	v12 =	vor.u32 $0x60, v3  }
0xa: {  	s3 =	sadd.s32 $0x1000, s4;
	[smem:$0x7FF] =	sst s2;
	s6 =	ssub.s32 s6, s7;
	v13 =	vor.u32 $0x160, v3;
	v14 =	vor.u32 $0x80, v3;
	v15 =	vor.u32 $0x180, v3  }
0xb: {  	s4 =	sadd.s32 s31, s5;
	s7 =	simm.s32 $0x200;
	s1 =	rddreg [dreg:$0x2];
	v16 =	vor.u32 $0xA0, v3;
	v17 =	vor.u32 $0x1A0, v3;
	v18 =	vor.u32 $0xC0, v3  }
0xc: {  	_ =	strace $0x80000047;
	s5 =	smax.u32 s6, $0x1;
	s6 =	simm.s32 $0x1;
	v19 =	vor.u32 $0x1C0, v3;
	v20 =	vor.u32 $0xE0, v3;
	v21 =	vor.u32 $0x1E0, v3  }
.LBB2_1:
0xd: {  	[tilespmem:s2], [sflag:$0x1] =	stream.linear.gather [hbm4b:s3+s2], $0x200, $0x38;
	[tilespmem:$0x480] =	vst v63  }
0xe: {  	_ =	swait.ge [sflag:s6], $0x200  }
0xf: {  	[sflag:s6] =	ssyncset.done $0x0  }
0x10: {  	[sflag:s6] =	ssyncadd.s32 $0xFFFFFE00  }
0x11: {  	[tilespmem:$0x280] =	vst v5  }
0x12: {  	[tilespmem:$0x290] =	vst v5  }
0x13: {  	[tilespmem:$0x2A0] =	vst v5  }
0x14: {  	[tilespmem:$0x2B0] =	vst v5  }
0x15: {  	[tilespmem:$0x2C0] =	vst v5  }
0x16: {  	[tilespmem:$0x2D0] =	vst v5  }
0x17: {  	[tilespmem:$0x2E0] =	vst v5  }
0x18: {  	[tilespmem:$0x2F0] =	vst v5  }
0x19: {  	[tilespmem:$0x300] =	vst v5  }
0x1a: {  	[tilespmem:$0x310] =	vst v5  }
0x1b: {  	[tilespmem:$0x320] =	vst v5  }
0x1c: {  	[tilespmem:$0x330] =	vst v5  }
0x1d: {  	[tilespmem:$0x340] =	vst v5  }
0x1e: {  	[tilespmem:$0x350] =	vst v5  }
0x1f: {  	[tilespmem:$0x360] =	vst v5  }
0x20: {  	[tilespmem:$0x370] =	vst v5  }
0x21: {  	[tilespmem:$0x380] =	vst v5  }
0x22: {  	[tilespmem:$0x390] =	vst v5  }
0x23: {  	[tilespmem:$0x3A0] =	vst v5  }
0x24: {  	[tilespmem:$0x3B0] =	vst v5  }
0x25: {  	[tilespmem:$0x3C0] =	vst v5  }
0x26: {  	[tilespmem:$0x3D0] =	vst v5  }
0x27: {  	[tilespmem:$0x3E0] =	vst v5  }
0x28: {  	[tilespmem:$0x3F0] =	vst v5  }
0x29: {  	[tilespmem:$0x400] =	vst v5  }
0x2a: {  	[tilespmem:$0x410] =	vst v5  }
0x2b: {  	[tilespmem:$0x420] =	vst v5  }
0x2c: {  	[tilespmem:$0x430] =	vst v5  }
0x2d: {  	[tilespmem:$0x440] =	vst v5  }
0x2e: {  	[tilespmem:$0x450] =	vst v5  }
0x2f: {  	[tilespmem:$0x460] =	vst v5  }
0x30: {  	[tilespmem:$0x470] =	vst v5  }
0x31: {  	[tilespmem:$0x200] =	vst v6  }
0x32: {  	[tilespmem:$0x210] =	vst v6  }
0x33: {  	[tilespmem:$0x220] =	vst v6  }
0x34: {  	[tilespmem:$0x230] =	vst v6  }
0x35: {  	[tilespmem:$0x240] =	vst v6  }
0x36: {  	[tilespmem:$0x250] =	vst v6  }
0x37: {  	[tilespmem:$0x260] =	vst v6  }
0x38: {  	[tilespmem:$0x270] =	vst v6  }
0x39: {  	v22 =	vld.idx.msk [tilespmem:v3+s2+$0x0], $0xffff  }
0x3a: {  	v23 =	vld.idx.msk [tilespmem:v7+s2+$0x0], $0xffff;
	_ =	sdelay $0x4  }
0x3b: {  	vm0 =	vne.s32 v22, v23;
	_ =	sdelay $0x5  }
0x3c: {  	[tilespmem:v23+s7+$0x0] =	vst.idx.add.f32.msk vm0, v6  }
0x3d: {  	v22 =	vld.idx.msk [tilespmem:v8+s2+$0x0], $0xffff  }
0x3e: {  	v23 =	vld.idx.msk [tilespmem:v9+s2+$0x0], $0xffff;
	_ =	sdelay $0x4  }
0x3f: {  	vm10 =	vne.s32 v22, v23;
	_ =	sdelay $0x5  }
0x40: {  	[tilespmem:v23+s7+$0x0] =	vst.idx.add.f32.msk vm10, v6  }
0x41: {  	v22 =	vld.idx.msk [tilespmem:v10+s2+$0x0], $0xffff  }
0x42: {  	v23 =	vld.idx.msk [tilespmem:v11+s2+$0x0], $0xffff;
	_ =	sdelay $0x4  }
0x43: {  	vm11 =	vne.s32 v22, v23;
	_ =	sdelay $0x5  }
0x44: {  	[tilespmem:v23+s7+$0x0] =	vst.idx.add.f32.msk vm11, v6  }
0x45: {  	v22 =	vld.idx.msk [tilespmem:v12+s2+$0x0], $0xffff  }
0x46: {  	v23 =	vld.idx.msk [tilespmem:v13+s2+$0x0], $0xffff;
	_ =	sdelay $0x4  }
0x47: {  	vm12 =	vne.s32 v22, v23;
	_ =	sdelay $0x5  }
0x48: {  	[tilespmem:v23+s7+$0x0] =	vst.idx.add.f32.msk vm12, v6  }
0x49: {  	v22 =	vld.idx.msk [tilespmem:v14+s2+$0x0], $0xffff  }
0x4a: {  	v23 =	vld.idx.msk [tilespmem:v15+s2+$0x0], $0xffff;
	_ =	sdelay $0x4  }
0x4b: {  	vm13 =	vne.s32 v22, v23;
	_ =	sdelay $0x5  }
0x4c: {  	[tilespmem:v23+s7+$0x0] =	vst.idx.add.f32.msk vm13, v6  }
0x4d: {  	v22 =	vld.idx.msk [tilespmem:v16+s2+$0x0], $0xffff  }
0x4e: {  	v23 =	vld.idx.msk [tilespmem:v17+s2+$0x0], $0xffff;
	_ =	sdelay $0x4  }
0x4f: {  	vm14 =	vne.s32 v22, v23;
	_ =	sdelay $0x5  }
0x50: {  	[tilespmem:v23+s7+$0x0] =	vst.idx.add.f32.msk vm14, v6  }
0x51: {  	v22 =	vld.idx.msk [tilespmem:v18+s2+$0x0], $0xffff  }
0x52: {  	v23 =	vld.idx.msk [tilespmem:v19+s2+$0x0], $0xffff;
	_ =	sdelay $0x4  }
0x53: {  	vm15 =	vne.s32 v22, v23;
	_ =	sdelay $0x5  }
0x54: {  	[tilespmem:v23+s7+$0x0] =	vst.idx.add.f32.msk vm15, v6  }
0x55: {  	v22 =	vld.idx.msk [tilespmem:v20+s2+$0x0], $0xffff  }
0x56: {  	v23 =	vld.idx.msk [tilespmem:v21+s2+$0x0], $0xffff;
	_ =	sdelay $0x4  }
0x57: {  	vm4 =	vne.s32 v22, v23;
	_ =	sdelay $0x5  }
0x58: {  	[tilespmem:v23+s7+$0x0] =	vst.idx.add.f32.msk vm4, v6  }
0x59: {  	v22 =	vld [tilespmem:$0x200];
	_ =	sdelay $0x3  }
0x5a: {  	v23 =	vld [tilespmem:$0x210]  }
0x5b: {  	v24 =	vshra.s32 v22, $0x1;
	v22 =	vmul.f32 $5.000000000e-01, v22  }
0x5c: {  	v24 =	vsub.s32 $0x5F3759DF, v24  }
0x5d: {  	v26 =	vmul.f32 v24, v22;
	_ =	sdelay $0x1  }
0x5e: {  	v28 =	vld [tilespmem:$0x220];
	v25 =	vshra.s32 v23, $0x1;
	v23 =	vmul.f32 $5.000000000e-01, v23;
	v26 =	vmul.f32 v24, v26  }
0x5f: {  	v29 =	vld [tilespmem:$0x230];
	v25 =	vsub.s32 $0x5F3759DF, v25  }
0x60: {  	v31 =	vld [tilespmem:$0x240];
	v27 =	vmul.f32 v25, v23;
	v26 =	vsub.f32 $1.500000000e+00, v26;
	_ =	sdelay $0x1  }
0x61: {  	v33 =	vld [tilespmem:$0x250];
	v27 =	vmul.f32 v25, v27;
	v24 =	vmul.f32 v24, v26  }
0x62: {  	v46 =	vshra.s32 v28, $0x1;
	v47 =	vmul.f32 $5.000000000e-01, v28  }
0x63: {  	v49 =	vld [tilespmem:$0x260];
	v30 =	vshra.s32 v29, $0x1;
	v27 =	vsub.f32 $1.500000000e+00, v27;
	v26 =	vmul.f32 v24, v22  }
0x64: {  	v29 =	vmul.f32 $5.000000000e-01, v29;
	v52 =	vshra.s32 v31, $0x1;
	v31 =	vmul.f32 $5.000000000e-01, v31  }
0x65: {  	v30 =	vsub.s32 $0x5F3759DF, v30;
	v25 =	vmul.f32 v25, v27;
	v26 =	vmul.f32 v26, v24  }
0x66: {  	v34 =	vshra.s32 v33, $0x1;
	v33 =	vmul.f32 $5.000000000e-01, v33;
	v32 =	vmul.f32 v30, v29  }
0x67: {  	v51 =	vld [tilespmem:$0x270];
	v34 =	vsub.s32 $0x5F3759DF, v34;
	v27 =	vmul.f32 v25, v23;
	v26 =	vsub.f32 $1.500000000e+00, v26  }
0x68: {  	v36 =	vshra.s32 v49, $0x1;
	v35 =	vmul.f32 v34, v33;
	v48 =	vmul.f32 v30, v32  }
0x69: {  	v27 =	vmul.f32 v27, v25;
	v24 =	vmul.f32 v26, v24;
	v26 =	vsub.s32 $0x5F3759DF, v46  }
0x6a: {  	v36 =	vsub.s32 $0x5F3759DF, v36;
	v32 =	vmul.f32 $5.000000000e-01, v49;
	v28 =	vmul.f32 v26, v47  }
0x6b: {  	v35 =	vmul.f32 v34, v35;
	v27 =	vsub.f32 $1.500000000e+00, v27;
	v22 =	vmul.f32 v24, v22  }
0x6c: {  	v37 =	vshra.s32 v51, $0x1;
	v38 =	vmul.f32 v36, v32;
	v28 =	vmul.f32 v26, v28  }
0x6d: {  	v35 =	vsub.f32 $1.500000000e+00, v35;
	v25 =	vmul.f32 v27, v25;
	v22 =	vmul.f32 v22, v24  }
0x6e: {  	v37 =	vsub.s32 $0x5F3759DF, v37;
	v38 =	vmul.f32 v36, v38;
	v28 =	vsub.f32 $1.500000000e+00, v28  }
0x6f: {  	v34 =	vmul.f32 v34, v35;
	v23 =	vmul.f32 v25, v23;
	v22 =	vsub.f32 $1.500000000e+00, v22  }
0x70: {  	v50 =	vmul.f32 v26, v28;
	v28 =	vsub.s32 $0x5F3759DF, v52;
	v26 =	vmul.f32 $5.000000000e-01, v51  }
0x71: {  	v22 =	vmul.f32 v22, v24;
	v24 =	vsub.f32 $1.500000000e+00, v48;
	v53 =	vmul.f32 v28, v31  }
0x72: {  	v23 =	vmul.f32 v23, v25;
	v39 =	vmul.f32 v37, v26  }
0x73: {  	v24 =	vmul.f32 v30, v24;
	v30 =	vmul.f32 v28, v53  }
0x74: {  	v58 =	vmul.f32 v34, v33;
	v40 =	vmul.f32 v50, v47  }
0x75: {  	v23 =	vsub.f32 $1.500000000e+00, v23;
	v39 =	vmul.f32 v37, v39;
	v30 =	vsub.f32 $1.500000000e+00, v30  }
0x76: {  	v54 =	vsub.f32 $1.500000000e+00, v38;
	v40 =	vmul.f32 v40, v50;
	v41 =	vmul.f32 v24, v29  }
0x77: {  	v23 =	vmul.f32 v23, v25;
	v56 =	vsub.f32 $1.500000000e+00, v39;
	v28 =	vmul.f32 v28, v30  }
0x78: {  	v40 =	vsub.f32 $1.500000000e+00, v40;
	v55 =	vmul.f32 v41, v24;
	v30 =	vmul.f32 v36, v54  }
0x79: {  	v36 =	vmul.f32 v58, v34;
	v35 =	vmul.f32 v37, v56  }
0x7a: {  	v25 =	vmul.f32 v40, v50;
	v57 =	vmul.f32 v28, v31  }
0x7b: {  	v60 =	vmul.f32 v30, v32;
	v38 =	vsub.f32 $1.500000000e+00, v55;
	v61 =	vmul.f32 v35, v26  }
0x7c: {  	v36 =	vsub.f32 $1.500000000e+00, v36;
	v27 =	vmul.f32 v25, v47;
	v59 =	vmul.f32 v57, v28  }
0x7d: {  	v24 =	vmul.f32 v38, v24;
	v41 =	vmul.f32 v61, v35  }
0x7e: {  	v39 =	vmul.f32 v60, v30;
	v34 =	vmul.f32 v36, v34;
	v37 =	vsub.f32 $1.500000000e+00, v59  }
0x7f: {  	v27 =	vmul.f32 v27, v25;
	v29 =	vmul.f32 v24, v29;
	v63 =	vsub.f32 $1.500000000e+00, v41  }
0x80: {  	v62 =	vsub.f32 $1.500000000e+00, v39;
	v33 =	vmul.f32 v34, v33;
	v28 =	vmul.f32 v37, v28  }
0x81: {  	v29 =	vmul.f32 v29, v24;
	v35 =	vmul.f32 v63, v35  }
0x82: {  	v30 =	vmul.f32 v62, v30;
	v31 =	vmul.f32 v28, v31  }
0x83: {  	v33 =	vmul.f32 v33, v34;
	v29 =	vsub.f32 $1.500000000e+00, v29;
	v26 =	vmul.f32 v35, v26  }
0x84: {  	v27 =	vsub.f32 $1.500000000e+00, v27;
	v32 =	vmul.f32 v30, v32;
	v31 =	vmul.f32 v31, v28  }
0x85: {  	[tilespmem:$0x210] =	vst v23;
	v37 =	vsub.f32 $1.500000000e+00, v33;
	v23 =	vmul.f32 v29, v24;
	v26 =	vmul.f32 v26, v35  }
0x86: {  	[tilespmem:$0x200] =	vst v22;
	v22 =	vmul.f32 v27, v25;
	v36 =	vmul.f32 v32, v30;
	v31 =	vsub.f32 $1.500000000e+00, v31  }
0x87: {  	[tilespmem:$0x230] =	vst v23;
	v23 =	vmul.f32 v37, v34;
	v39 =	vsub.f32 $1.500000000e+00, v26  }
0x88: {  	[tilespmem:$0x220] =	vst v22;
	v38 =	vsub.f32 $1.500000000e+00, v36;
	v22 =	vmul.f32 v31, v28  }
0x89: {  	[tilespmem:$0x250] =	vst v23;
	v23 =	vmul.f32 v39, v35  }
0x8a: {  	[tilespmem:$0x240] =	vst v22;
	v22 =	vmul.f32 v38, v30  }
0x8b: {  	[tilespmem:$0x270] =	vst v23  }
0x8c: {  	[tilespmem:$0x260] =	vst v22  }
0x8d: {  	v22 =	vld.idx.msk [tilespmem:v3+s2+$0x0], $0xffff  }
0x8e: {  	v23 =	vld.idx.msk [tilespmem:v7+s2+$0x0], $0xffff;
	_ =	sdelay $0x4  }
0x8f: {  	vm5 =	vne.s32 v22, v23;
	vm1 =	vge.s32 v23, v1  }
0x90: {  	vm6 =	vlt.s32 v23, v2;
	v40 =	vsub.s32 v23, v1;
	vm0 =	vmand vm5, vm1  }
0x91: {  	v24 =	vshll.u32 v40, $0x7;
	vm0 =	vmand vm6, vm0;
	v41 =	vld.idx.msk [tilespmem:v22+s7+$0x0], $0xffff  }
0x92: {  	v42 =	vand.u32 $0xFFFFFF80, v22;
	v23 =	vld.idx.msk [tilespmem:v23+s7+$0x0], $0xffff;
	v24 =	vnsel vm0, $0x0, v24  }
0x93: {  	v22 =	vand.u32 $0x7F, v22;
	v24 =	vadd.s32 v42, v24  }
0x94: {  	v22 =	vor.u32 v22, v24;
	_ =	sdelay $0x2  }
0x95: {  	v23 =	vmul.f32 v23, v41;
	_ =	sdelay $0x1  }
0x96: {  	[tilespmem:v22+s8+$0x0] =	vst.idx.add.f32.msk vm0, v23  }
0x97: {  	v22 =	vld.idx.msk [tilespmem:v8+s2+$0x0], $0xffff  }
0x98: {  	v23 =	vld.idx.msk [tilespmem:v9+s2+$0x0], $0xffff;
	_ =	sdelay $0x4  }
0x99: {  	vm7 =	vne.s32 v22, v23;
	vm8 =	vge.s32 v23, v1  }
0x9a: {  	vm9 =	vlt.s32 v23, v2;
	v43 =	vsub.s32 v23, v1;
	vm0 =	vmand vm7, vm8  }
0x9b: {  	v24 =	vshll.u32 v43, $0x7;
	vm0 =	vmand vm9, vm0;
	v44 =	vld.idx.msk [tilespmem:v22+s7+$0x0], $0xffff  }
0x9c: {  	v45 =	vand.u32 $0xFFFFFF80, v22;
	v23 =	vld.idx.msk [tilespmem:v23+s7+$0x0], $0xffff;
	v24 =	vnsel vm0, $0x0, v24  }
0x9d: {  	v22 =	vand.u32 $0x7F, v22;
	v24 =	vadd.s32 v45, v24  }
0x9e: {  	v22 =	vor.u32 v22, v24;
	_ =	sdelay $0x2  }
0x9f: {  	v23 =	vmul.f32 v23, v44;
	_ =	sdelay $0x1  }
0xa0: {  	[tilespmem:v22+s8+$0x0] =	vst.idx.add.f32.msk vm0, v23  }
0xa1: {  	v22 =	vld.idx.msk [tilespmem:v10+s2+$0x0], $0xffff  }
0xa2: {  	v23 =	vld.idx.msk [tilespmem:v11+s2+$0x0], $0xffff;
	_ =	sdelay $0x4  }
0xa3: {  	vm10 =	vne.s32 v22, v23;
	vm11 =	vge.s32 v23, v1  }
0xa4: {  	vm12 =	vlt.s32 v23, v2;
	v46 =	vsub.s32 v23, v1;
	vm0 =	vmand vm10, vm11  }
0xa5: {  	v24 =	vshll.u32 v46, $0x7;
	vm0 =	vmand vm12, vm0;
	v47 =	vld.idx.msk [tilespmem:v22+s7+$0x0], $0xffff  }
0xa6: {  	v48 =	vand.u32 $0xFFFFFF80, v22;
	v23 =	vld.idx.msk [tilespmem:v23+s7+$0x0], $0xffff;
	v24 =	vnsel vm0, $0x0, v24  }
0xa7: {  	v22 =	vand.u32 $0x7F, v22;
	v24 =	vadd.s32 v48, v24  }
0xa8: {  	v22 =	vor.u32 v22, v24;
	_ =	sdelay $0x2  }
0xa9: {  	v23 =	vmul.f32 v23, v47;
	_ =	sdelay $0x1  }
0xaa: {  	[tilespmem:v22+s8+$0x0] =	vst.idx.add.f32.msk vm0, v23  }
0xab: {  	v22 =	vld.idx.msk [tilespmem:v12+s2+$0x0], $0xffff  }
0xac: {  	v23 =	vld.idx.msk [tilespmem:v13+s2+$0x0], $0xffff;
	_ =	sdelay $0x4  }
0xad: {  	vm13 =	vne.s32 v22, v23;
	vm14 =	vge.s32 v23, v1  }
0xae: {  	vm15 =	vlt.s32 v23, v2;
	v49 =	vsub.s32 v23, v1;
	vm0 =	vmand vm13, vm14  }
0xaf: {  	v24 =	vshll.u32 v49, $0x7;
	vm0 =	vmand vm15, vm0;
	v50 =	vld.idx.msk [tilespmem:v22+s7+$0x0], $0xffff  }
0xb0: {  	v51 =	vand.u32 $0xFFFFFF80, v22;
	v23 =	vld.idx.msk [tilespmem:v23+s7+$0x0], $0xffff;
	v24 =	vnsel vm0, $0x0, v24  }
0xb1: {  	v22 =	vand.u32 $0x7F, v22;
	v24 =	vadd.s32 v51, v24  }
0xb2: {  	v22 =	vor.u32 v22, v24;
	_ =	sdelay $0x2  }
0xb3: {  	v23 =	vmul.f32 v23, v50;
	_ =	sdelay $0x1  }
0xb4: {  	[tilespmem:v22+s8+$0x0] =	vst.idx.add.f32.msk vm0, v23  }
0xb5: {  	v22 =	vld.idx.msk [tilespmem:v14+s2+$0x0], $0xffff  }
0xb6: {  	v23 =	vld.idx.msk [tilespmem:v15+s2+$0x0], $0xffff;
	_ =	sdelay $0x4  }
0xb7: {  	vm4 =	vne.s32 v22, v23;
	vm5 =	vge.s32 v23, v1  }
0xb8: {  	vm6 =	vlt.s32 v23, v2;
	v52 =	vsub.s32 v23, v1;
	vm0 =	vmand vm4, vm5  }
0xb9: {  	v24 =	vshll.u32 v52, $0x7;
	vm0 =	vmand vm6, vm0;
	v53 =	vld.idx.msk [tilespmem:v22+s7+$0x0], $0xffff  }
0xba: {  	v54 =	vand.u32 $0xFFFFFF80, v22;
	v23 =	vld.idx.msk [tilespmem:v23+s7+$0x0], $0xffff;
	v24 =	vnsel vm0, $0x0, v24  }
0xbb: {  	v22 =	vand.u32 $0x7F, v22;
	v24 =	vadd.s32 v54, v24  }
0xbc: {  	v22 =	vor.u32 v22, v24;
	_ =	sdelay $0x2  }
0xbd: {  	v23 =	vmul.f32 v23, v53;
	_ =	sdelay $0x1  }
0xbe: {  	[tilespmem:v22+s8+$0x0] =	vst.idx.add.f32.msk vm0, v23  }
0xbf: {  	v22 =	vld.idx.msk [tilespmem:v16+s2+$0x0], $0xffff  }
0xc0: {  	v23 =	vld.idx.msk [tilespmem:v17+s2+$0x0], $0xffff;
	_ =	sdelay $0x4  }
0xc1: {  	vm7 =	vne.s32 v22, v23;
	vm8 =	vge.s32 v23, v1  }
0xc2: {  	vm9 =	vlt.s32 v23, v2;
	v55 =	vsub.s32 v23, v1;
	vm0 =	vmand vm7, vm8  }
0xc3: {  	v24 =	vshll.u32 v55, $0x7;
	vm0 =	vmand vm9, vm0;
	v56 =	vld.idx.msk [tilespmem:v22+s7+$0x0], $0xffff  }
0xc4: {  	v57 =	vand.u32 $0xFFFFFF80, v22;
	v23 =	vld.idx.msk [tilespmem:v23+s7+$0x0], $0xffff;
	v24 =	vnsel vm0, $0x0, v24  }
0xc5: {  	v22 =	vand.u32 $0x7F, v22;
	v24 =	vadd.s32 v57, v24  }
0xc6: {  	v22 =	vor.u32 v22, v24;
	_ =	sdelay $0x2  }
0xc7: {  	v23 =	vmul.f32 v23, v56;
	_ =	sdelay $0x1  }
0xc8: {  	[tilespmem:v22+s8+$0x0] =	vst.idx.add.f32.msk vm0, v23  }
0xc9: {  	v22 =	vld.idx.msk [tilespmem:v18+s2+$0x0], $0xffff  }
0xca: {  	v23 =	vld.idx.msk [tilespmem:v19+s2+$0x0], $0xffff;
	_ =	sdelay $0x4  }
0xcb: {  	vm10 =	vne.s32 v22, v23;
	vm11 =	vge.s32 v23, v1  }
0xcc: {  	vm12 =	vlt.s32 v23, v2;
	v58 =	vsub.s32 v23, v1;
	vm0 =	vmand vm10, vm11  }
0xcd: {  	v24 =	vshll.u32 v58, $0x7;
	vm0 =	vmand vm12, vm0;
	v59 =	vld.idx.msk [tilespmem:v22+s7+$0x0], $0xffff  }
0xce: {  	v60 =	vand.u32 $0xFFFFFF80, v22;
	v23 =	vld.idx.msk [tilespmem:v23+s7+$0x0], $0xffff;
	v24 =	vnsel vm0, $0x0, v24  }
0xcf: {  	v22 =	vand.u32 $0x7F, v22;
	v24 =	vadd.s32 v60, v24  }
0xd0: {  	v22 =	vor.u32 v22, v24;
	_ =	sdelay $0x2  }
0xd1: {  	v23 =	vmul.f32 v23, v59;
	_ =	sdelay $0x1  }
0xd2: {  	[tilespmem:v22+s8+$0x0] =	vst.idx.add.f32.msk vm0, v23  }
0xd3: {  	v22 =	vld.idx.msk [tilespmem:v20+s2+$0x0], $0xffff  }
0xd4: {  	v23 =	vld.idx.msk [tilespmem:v21+s2+$0x0], $0xffff;
	_ =	sdelay $0x4  }
0xd5: {  	vm13 =	vne.s32 v22, v23;
	vm14 =	vge.s32 v23, v1  }
0xd6: {  	vm15 =	vlt.s32 v23, v2;
	v61 =	vsub.s32 v23, v1;
	vm0 =	vmand vm13, vm14  }
0xd7: {  	v24 =	vshll.u32 v61, $0x7;
	vm0 =	vmand vm15, vm0;
	v62 =	vld.idx.msk [tilespmem:v22+s7+$0x0], $0xffff  }
0xd8: {  	v63 =	vand.u32 $0xFFFFFF80, v22;
	v23 =	vld.idx.msk [tilespmem:v23+s7+$0x0], $0xffff;
	v24 =	vnsel vm0, $0x0, v24  }
0xd9: {  	v22 =	vand.u32 $0x7F, v22;
	v24 =	vadd.s32 v63, v24  }
0xda: {  	v22 =	vor.u32 v22, v24;
	_ =	sdelay $0x2  }
0xdb: {  	v23 =	vmul.f32 v23, v62;
	_ =	sdelay $0x1  }
0xdc: {  	[tilespmem:v22+s8+$0x0] =	vst.idx.add.f32.msk vm0, v23  }
0xdd: {  	v22 =	vld.idx.msk [tilespmem:v0+s7+$0x0], $0xffff;
	_ =	sdelay $0x4  }
0xde: {  	v22 =	vmul.f32 v22, v22  }
0xdf: {  	p0 =	sne.s32 s5, $0x1  }
.Ltmp0:
0xe0: {  	[tilespmem:v4+s8+$0x0] =	vst.idx.add.f32.msk $0xf, v22;
	(pc) =	sbr.rel @p0 .LBB2_1-.Ltmp0, $4  }
0xe1: {  	[hbm4b:s4+s2] =	stream.linear.scatter [tilespmem:s8], [sflag:$0x1], $0x200, $0x38;
	[tilespmem:$0x480] =	vst v63  }
0xe2: {  	_ =	swait.ge [sflag:s6], $0x200  }
0xe3: {  	[sflag:s6] =	ssyncset.done $0x0  }
0xe4: {  	s5 =	sadd.s32 $0xFFFFFFFF, s5;
	[sflag:s6] =	ssyncadd.s32 $0xFFFFFE00  }
0xe5: {  	_ =	sfence.sel $0x180000  }
0xe6: {  	[bflag:$0x0] =	sbarrier.arrive $0xFFFF  }
0xe7: {  	p0 =	sne.s32 s0, $0x0;
	_ =	strace $0x90000047  }
0xe8: {  	s0 =	sadd.s32 @!p0 $0x100000, s1;
	[bflag:$0x2] =	sbarrier.arrive $0xFFFF  }
0xe9: {  	[sflag:s0] =	ssyncadd.tile.s32 @!p0 $0x1;
	_ =	shalt  }
.Lfunc_end2:
_tile_overlayer_lowered:
.L_overlay_start_2:
0xea: {  	(tag) =	ssettag $0x2  }
0xeb: {  	s0 =	rddreg [dreg:$0x0];
	s2 =	stileid.u32  }
0xec: {  	s1 =	rddreg [dreg:$0x1];
	p0 =	sne.s32 s2, $0x0  }
0xed: {  	s3 =	rddreg [dreg:$0x2];
	[bflag:$0x3] =	sbarrier.arrive $0xFFFF;
	s2 =	simm.s32 @!p0 $0x1C01  }
0xee: {  	[timem:s3], [sflag:s2] =	dma.local @!p0 [hbm:s0], s1  }
0xef: {  	s0 =	simm.s32 @!p0 $0x1  }
0xf0: {  	_ =	swait.ge @!p0 [sflag:s0], s1  }
0xf1: {  	s1 =	ssub.s32 @!p0 $0x0, s1;
	[sflag:s0] =	ssyncset.done @!p0 $0x0  }
0xf2: {  	[sflag:s0] =	ssyncadd.s32 @!p0 s1  }
0xf3: {  	[bflag:$0x3] =	sbarrier.arrive $0xFFFF  }
0xf4: {  	_ =	shalt  }

</sc_bundles>
